<compile_context>
chip_gen: v7x
topology: tpu7x:2x2x1
jax: 0.10.2.dev20260603
libtpu: 0.0.44.dev20260713+nightly
codegen_flags: <defaults>
</compile_context>

<pallas_src>
import functools

import jax
import jax.numpy as jnp
from jax.experimental import pallas as pl
from jax.experimental.pallas import tpu as pltpu
from jax.experimental.pallas import tpu_sc as plsc

_NUM_LAYERS = 2
_S_LEN = 200
_B = 1024
_D = 64
_V = 100000
_N = _S_LEN * _B * _D
_W = 128
_BW = _B // _W
_Q = _B // 2


def _sc_gather(table2, idx2):
    mesh = plsc.VectorSubcoreMesh(
        core_axis_name="core", subcore_axis_name="subcore"
    )

    @functools.partial(
        pl.kernel,
        out_type=jax.ShapeDtypeStruct((_S_LEN, _B, _D), jnp.float32),
        mesh=mesh,
        compiler_params=pltpu.CompilerParams(use_tc_tiling_on_sc=False),
    )
    def k(table_hbm, idx_hbm, out_hbm):
        def body(i_vmem, o_vmem):
            pltpu.sync_copy(table_hbm.at[i_vmem.at[0]], o_vmem.at[0])

        pltpu.emit_pipeline(
            body,
            grid=(_S_LEN * _BW,),
            in_specs=[pl.BlockSpec((1, _W), lambda i: (i // _BW, i % _BW))],
            out_specs=[
                pl.BlockSpec((1, _W, _D), lambda i: (i // _BW, i % _BW, 0))
            ],
            core_axis_name=("core", "subcore"),
            dimension_semantics=(pltpu.PARALLEL,),
        )(idx_hbm, out_hbm)

    return k(table2, idx2)


_SBLK = 25


def _tc_mean_copy(flat):

    def body(x_ref, mb_ref, e1_ref, e2_ref, acc_ref):
        t = pl.program_id(0)
        x = x_ref[...].reshape(_SBLK * _Q, 2 * _D)
        yt = jnp.swapaxes(x, 0, 1)
        for r in range(_SBLK):
            mb_ref[r, :, : _Q] = yt[: _D, r * _Q : (r + 1) * _Q]
            mb_ref[r, :, _Q :] = yt[_D :, r * _Q : (r + 1) * _Q]

        xs = x.reshape(_SBLK, _Q, 2 * _D).sum(axis=0)

        @pl.when(t == 0)
        def _():
            acc_ref[...] = xs

        @pl.when(t > 0)
        def _():
            acc_ref[...] += xs

        @pl.when(t == _S_LEN // _SBLK - 1)
        def _():
            at = jnp.swapaxes(acc_ref[...], 0, 1) * (1.0 / _S_LEN)
            lo = jnp.broadcast_to(at[None, : _D, :], (_NUM_LAYERS, _D, _Q))
            hi = jnp.broadcast_to(at[None, _D :, :], (_NUM_LAYERS, _D, _Q))
            e1_ref[:, :, : _Q] = lo
            e1_ref[:, :, _Q :] = hi
            e2_ref[:, :, : _Q] = lo
            e2_ref[:, :, _Q :] = hi

    return pl.pallas_call(
        body,
        grid=(_S_LEN // _SBLK,),
        in_specs=[pl.BlockSpec((_SBLK * _B * _D,), lambda t: (t,))],
        out_specs=[
            pl.BlockSpec((_SBLK, _D, _B), lambda t: (t, 0, 0)),
            pl.BlockSpec((_NUM_LAYERS, _D, _B), lambda t: (0, 0, 0)),
            pl.BlockSpec((_NUM_LAYERS, _D, _B), lambda t: (0, 0, 0)),
        ],
        out_shape=[
            jax.ShapeDtypeStruct((_S_LEN, _D, _B), jnp.float32),
            jax.ShapeDtypeStruct((_NUM_LAYERS, _D, _B), jnp.float32),
            jax.ShapeDtypeStruct((_NUM_LAYERS, _D, _B), jnp.float32),
        ],
        scratch_shapes=[pltpu.VMEM((_Q, 2 * _D), jnp.float32)],
    )(flat)


def kernel(src, lengths, table):
    del lengths
    idx = src[..., 0].astype(jnp.int32)
    idx2 = (
        (idx * 2).reshape(_S_LEN, 2, _Q).transpose(0, 2, 1).reshape(_S_LEN, _B)
    )
    table_pad = jnp.pad(table, ((0, 0), (0, _D)))
    table2 = table_pad.reshape(2 * _V, _D)
    gathered = _sc_gather(table2, idx2)
    flat = gathered.reshape(_N)
    mb_t, ef1_t, ef2_t = _tc_mean_copy(flat)
    memory_bank = jnp.swapaxes(mb_t, 1, 2)
    ef1 = jnp.swapaxes(ef1_t, 1, 2)
    ef2 = jnp.swapaxes(ef2_t, 1, 2)
    return (ef1, ef2, memory_bank)

# --- scband reference (transcript-rebuilt; emitter-appended) ---
"""Pipeline reference for scband-mean-encoder-89532888252750 (READ-ONLY COPY).

The authoritative reference and input builder live on the scoring server;
editing this copy changes nothing except your own understanding.
"""

import jax, jax.numpy as jnp
import numpy as np

NUM_LAYERS = 2
VOCAB = 100000
EMB_DIM = 64
SRC_LEN = 200
BATCH = 1024


def setup_inputs(seed: int = 0) -> dict:
    key = jax.random.key(seed)
    k1, k2, k3 = jax.random.split(key, 3)
    src = jax.random.randint(k1, (SRC_LEN, BATCH, 1), 0, VOCAB)
    lengths = jax.random.randint(k2, (BATCH,), 1, SRC_LEN)
    # learned parameter: embedding table (onmt.modules.Embeddings lookup table)
    table = jax.random.normal(k3, (VOCAB, EMB_DIM), dtype=jnp.float32)
    return {"src": src, "lengths": lengths, "table": table}


def reference(src, lengths, table):
    # MeanEncoder.forward:
    #   emb = self.embeddings(src)            # [s_len, batch, emb_dim]
    #   mean = emb.mean(0).expand(num_layers, batch, emb_dim)
    #   memory_bank = emb
    #   encoder_final = (mean, mean)
    idx = src[..., 0]                      # [s_len, batch] sparse token indices
    emb = jnp.take(table, idx, axis=0)     # gather -> [s_len, batch, emb_dim]
    mean = jnp.mean(emb, axis=0)           # [batch, emb_dim]
    enc_final = jnp.broadcast_to(mean[None, :, :], (NUM_LAYERS, BATCH, EMB_DIM))
    memory_bank = emb
    return (enc_final, enc_final, memory_bank)

if __name__ == "__main__":
    import jax
    _d = setup_inputs()
    print(jax.jit(kernel)(*tuple(_d.values())))

</pallas_src>

<mosaic_0001>
#map = affine_map<(d0, d1) -> (0, 0)>
#map1 = affine_map<(d0, d1) -> (0, 0, 0)>
module attributes {stable_mosaic.version = 14 : i64} {
  func.func @k(%arg0: i32, %arg1: i32, %arg2: memref<200000x64xf32, #tpu.memory_space<hbm>>, %arg3: memref<200x1024xi32, #tpu.memory_space<hbm>>, %arg4: memref<200x1024x64xf32, #tpu.memory_space<hbm>>) attributes {dimension_semantics = [#tpu.dimension_semantics<core_parallel>, #tpu.dimension_semantics<subcore_parallel>], iteration_bounds = array<i64: 2, 16>, scalar_prefetch = 0 : i64, scratch_operands = 0 : i64, tpu.core_type = #tpu.core_type<sc_vector_subcore>, window_params = [{transform_indices = #map}, {transform_indices = #map}, {transform_indices = #map1}]} {
    %mul3A = arith.constant 1 : i32
    %mul3A_0 = arith.muli %arg1, %mul3A : i32
    %add3A = arith.constant 0 : i32
    %add3A_1 = arith.addi %add3A, %mul3A_0 : i32
    %mul3A_2 = arith.constant 16 : i32
    %mul3A_3 = arith.muli %arg0, %mul3A_2 : i32
    %add3A_4 = arith.addi %add3A_1, %mul3A_3 : i32
    %mul3A_5 = arith.constant 50 : i32
    %mul3A_6 = arith.muli %add3A_4, %mul3A_5 : i32
    "tpu.region"() ({
      %run_scoped3A = memref.alloca() : memref<2x1x128xi32, #tpu.memory_space<vmem>>
      %run_scoped3A_7 = tpu.sem_alloc : memref<2x!tpu.dma_semaphore, #tpu.memory_space<semaphore_mem>>
      %run_scoped3A_8 = memref.alloca() : memref<2x1x128x64xf32, #tpu.memory_space<vmem>>
      %run_scoped3A_9 = tpu.sem_alloc : memref<2x!tpu.dma_semaphore, #tpu.memory_space<semaphore_mem>>
      %add3A_10 = arith.constant 0 : i32
      %add3A_11 = arith.addi %add3A_10, %mul3A_6 : i32
      %select_n3A = arith.constant true
      %select_n3A_12 = arith.constant 0 : i32
      %select_n3A_13 = arith.constant -1 : i32
      %select_n3A_14 = arith.select %select_n3A, %select_n3A_13, %select_n3A_12 : i32
      %eq3A = arith.constant -1 : i32
      %eq3A_15 = arith.cmpi eq, %select_n3A_14, %eq3A : i32
      %select_n3A_16 = arith.constant 49 : i32
      %select_n3A_17 = arith.select %eq3A_15, %select_n3A_16, %select_n3A_14 : i32
      %add3A_18 = arith.addi %select_n3A_17, %mul3A_6 : i32
      %select_n3A_19 = arith.constant true
      %select_n3A_20 = arith.constant 0 : i32
      %select_n3A_21 = arith.constant 1 : i32
      %select_n3A_22 = arith.select %select_n3A_19, %select_n3A_21, %select_n3A_20 : i32
      %eq3A_23 = arith.constant 50 : i32
      %eq3A_24 = arith.cmpi eq, %select_n3A_22, %eq3A_23 : i32
      %select_n3A_25 = arith.constant 0 : i32
      %select_n3A_26 = arith.select %eq3A_24, %select_n3A_25, %select_n3A_22 : i32
      %add3A_27 = arith.addi %select_n3A_26, %mul3A_6 : i32
      %add3A_28 = arith.constant 1 : i32
      %add3A_29 = arith.addi %select_n3A_26, %add3A_28 : i32
      %select_n3A_30 = arith.constant true
      %select_n3A_31 = arith.select %select_n3A_30, %add3A_29, %select_n3A_26 : i32
      %eq3A_32 = arith.constant 50 : i32
      %eq3A_33 = arith.cmpi eq, %select_n3A_31, %eq3A_32 : i32
      %select_n3A_34 = arith.constant 0 : i32
      %select_n3A_35 = arith.select %eq3A_33, %select_n3A_34, %select_n3A_31 : i32
      %add3A_36 = arith.addi %select_n3A_35, %mul3A_6 : i32
      "tpu.trace_start"() <{level = 10 : i32, message = "ep_initialize_0"}> : () -> ()
      %rem3A = arith.constant 0 : i32
      %rem3A_37 = arith.constant 2 : i32
      %rem3A_38 = arith.remui %rem3A, %rem3A_37 : i32
      %jit3A = arith.constant 8 : i32
      %div3A = arith.divsi %add3A_11, %jit3A : i32
      %sign3A = arith.constant 0 : i32
      %sign3A_39 = arith.cmpi sgt, %add3A_11, %sign3A : i32
      %sign3A_40 = arith.extui %sign3A_39 : i1 to i32
      %sign3A_41 = arith.constant 0 : i32
      %sign3A_42 = arith.cmpi slt, %add3A_11, %sign3A_41 : i32
      %sign3A_43 = arith.extui %sign3A_42 : i1 to i32
      %sign3A_44 = arith.subi %sign3A_40, %sign3A_43 : i32
      %sign3A_45 = arith.constant 0 : i32
      %sign3A_46 = arith.cmpi sgt, %jit3A, %sign3A_45 : i32
      %sign3A_47 = arith.extui %sign3A_46 : i1 to i32
      %sign3A_48 = arith.constant 0 : i32
      %sign3A_49 = arith.cmpi slt, %jit3A, %sign3A_48 : i32
      %sign3A_50 = arith.extui %sign3A_49 : i1 to i32
      %sign3A_51 = arith.subi %sign3A_47, %sign3A_50 : i32
      %ne3A = arith.cmpi ne, %sign3A_44, %sign3A_51 : i32
      %rem3A_52 = arith.remsi %add3A_11, %jit3A : i32
      %ne3A_53 = arith.constant 0 : i32
      %ne3A_54 = arith.cmpi ne, %rem3A_52, %ne3A_53 : i32
      %and3A = arith.andi %ne3A, %ne3A_54 : i1
      %sub3A = arith.constant 1 : i32
      %sub3A_55 = arith.subi %div3A, %sub3A : i32
      %select_n3A_56 = arith.select %and3A, %sub3A_55, %div3A : i32
      %jit3A_57 = arith.constant 8 : i32
      %eq3A_58 = arith.constant 0 : i32
      %eq3A_59 = arith.cmpi eq, %jit3A_57, %eq3A_58 : i32
      %jit3A_60 = arith.constant 1 : i32
      %select_n3A_61 = arith.select %eq3A_59, %jit3A_60, %jit3A_57 : i32
      %rem3A_62 = arith.remsi %add3A_11, %select_n3A_61 : i32
      %ne3A_63 = arith.constant 0 : i32
      %ne3A_64 = arith.cmpi ne, %rem3A_62, %ne3A_63 : i32
      %lt3A = arith.constant 0 : i32
      %lt3A_65 = arith.cmpi slt, %rem3A_62, %lt3A : i32
      %lt3A_66 = arith.constant 0 : i32
      %lt3A_67 = arith.cmpi slt, %select_n3A_61, %lt3A_66 : i32
      %ne3A_68 = arith.xori %lt3A_65, %lt3A_67 : i1
      %and3A_69 = arith.andi %ne3A_68, %ne3A_64 : i1
      %add3A_70 = arith.addi %rem3A_62, %select_n3A_61 : i32
      %select_n3A_71 = arith.select %and3A_69, %add3A_70, %rem3A_62 : i32
      %mul3A_72 = arith.constant 1 : i32
      %mul3A_73 = arith.muli %mul3A_72, %select_n3A_56 : i32
      %mul3A_74 = arith.constant 128 : i32
      %mul3A_75 = arith.muli %mul3A_74, %select_n3A_71 : i32
      %dma_start3A = arith.constant 0 : i32
      %dma_start3A_76 = arith.constant 0 : i32
      %dma_start3A_77 = tpu.memref_slice %run_scoped3A[%rem3A_38, %dma_start3A, %dma_start3A_76] : memref<2x1x128xi32, #tpu.memory_space<vmem>> -> memref<1x1x128xi32, #tpu.memory_space<vmem>>
      %dma_start3A_78 = tpu.memref_squeeze %dma_start3A_77 : memref<1x1x128xi32, #tpu.memory_space<vmem>> -> memref<1x128xi32, #tpu.memory_space<vmem>>
      %dma_start3A_79 = tpu.memref_slice %arg3[%mul3A_73, %mul3A_75] : memref<200x1024xi32, #tpu.memory_space<hbm>> -> memref<1x128xi32, #tpu.memory_space<hbm>>
      %dma_start3A_80 = tpu.memref_slice %run_scoped3A_7[%rem3A_38] : memref<2x!tpu.dma_semaphore, #tpu.memory_space<semaphore_mem>> -> memref<1x!tpu.dma_semaphore, #tpu.memory_space<semaphore_mem>>
      %dma_start3A_81 = tpu.memref_squeeze %dma_start3A_80 : memref<1x!tpu.dma_semaphore, #tpu.memory_space<semaphore_mem>> -> memref<!tpu.dma_semaphore, #tpu.memory_space<semaphore_mem>>
      %dma_start3A_82 = arith.constant 0 : i32
      %dma_start3A_83 = arith.constant 0 : i32
      %dma_start3A_84 = tpu.memref_slice %run_scoped3A[%rem3A_38, %dma_start3A_82, %dma_start3A_83] : memref<2x1x128xi32, #tpu.memory_space<vmem>> -> memref<1x1x128xi32, #tpu.memory_space<vmem>>
      %dma_start3A_85 = tpu.memref_squeeze %dma_start3A_84 : memref<1x1x128xi32, #tpu.memory_space<vmem>> -> memref<1x128xi32, #tpu.memory_space<vmem>>
      %dma_start3A_86 = tpu.memref_slice %arg3[%mul3A_73, %mul3A_75] : memref<200x1024xi32, #tpu.memory_space<hbm>> -> memref<1x128xi32, #tpu.memory_space<hbm>>
      tpu.enqueue_dma source(%dma_start3A_86 : memref<1x128xi32, #tpu.memory_space<hbm>>) target(%dma_start3A_85 : memref<1x128xi32, #tpu.memory_space<vmem>>) target_semaphore(%dma_start3A_81 : memref<!tpu.dma_semaphore, #tpu.memory_space<semaphore_mem>>)
      %add3A_87 = arith.constant 0 : i32
      %add3A_88 = arith.constant 1 : i32
      %add3A_89 = arith.addi %add3A_87, %add3A_88 : i32
      %select_n3A_90 = arith.constant true
      %select_n3A_91 = arith.constant 0 : i32
      %select_n3A_92 = arith.select %select_n3A_90, %add3A_89, %select_n3A_91 : i32
      "tpu.trace_stop"() : () -> ()
      %scan3A = arith.constant 0 : i32
      %scan3A_93 = arith.constant 0 : i32
      %scan3A_94 = arith.constant 0 : i32
      %scan3A_95 = arith.constant 0 : i32
      %scan3A_96 = arith.constant 0 : i32
      %scan3A_97 = arith.constant 50 : i32
      %scan3A_98 = arith.addi %scan3A_96, %scan3A_97 : i32
      %scan3A_99 = arith.constant 1 : i32
      %scan3A_100:5 = scf.for %scan3A_199 = %scan3A_96 to %scan3A_98 step %scan3A_99 iter_args(%scan3A_200 = %select_n3A_92, %scan3A_201 = %scan3A, %scan3A_202 = %scan3A_93, %scan3A_203 = %scan3A_94, %scan3A_204 = %scan3A_95) -> (i32, i32, i32, i32, i32)  : i32 {
        %eq3A_205 = arith.constant 0 : i32
        %eq3A_206 = arith.cmpi eq, %scan3A_199, %eq3A_205 : i32
        %eq3A_207 = arith.constant 49 : i32
        %eq3A_208 = arith.cmpi eq, %scan3A_199, %eq3A_207 : i32
        %add3A_209 = arith.addi %scan3A_204, %mul3A_6 : i32
        %sub3A_210 = arith.constant 1 : i32
        %sub3A_211 = arith.subi %scan3A_204, %sub3A_210 : i32
        %select_n3A_212 = arith.constant true
        %select_n3A_213 = arith.select %select_n3A_212, %sub3A_211, %scan3A_204 : i32
        %eq3A_214 = arith.constant -1 : i32
        %eq3A_215 = arith.cmpi eq, %select_n3A_213, %eq3A_214 : i32
        %select_n3A_216 = arith.constant 49 : i32
        %select_n3A_217 = arith.select %eq3A_215, %select_n3A_216, %select_n3A_213 : i32
        %add3A_218 = arith.addi %select_n3A_217, %mul3A_6 : i32
        %add3A_219 = arith.constant 1 : i32
        %add3A_220 = arith.addi %scan3A_204, %add3A_219 : i32
        %select_n3A_221 = arith.constant true
        %select_n3A_222 = arith.select %select_n3A_221, %add3A_220, %scan3A_204 : i32
        %eq3A_223 = arith.constant 50 : i32
        %eq3A_224 = arith.cmpi eq, %select_n3A_222, %eq3A_223 : i32
        %select_n3A_225 = arith.constant 0 : i32
        %select_n3A_226 = arith.select %eq3A_224, %select_n3A_225, %select_n3A_222 : i32
        %add3A_227 = arith.addi %select_n3A_226, %mul3A_6 : i32
        %add3A_228 = arith.constant 1 : i32
        %add3A_229 = arith.addi %select_n3A_226, %add3A_228 : i32
        %select_n3A_230 = arith.constant true
        %select_n3A_231 = arith.select %select_n3A_230, %add3A_229, %select_n3A_226 : i32
        %eq3A_232 = arith.constant 50 : i32
        %eq3A_233 = arith.cmpi eq, %select_n3A_231, %eq3A_232 : i32
        %select_n3A_234 = arith.constant 0 : i32
        %select_n3A_235 = arith.select %eq3A_233, %select_n3A_234, %select_n3A_231 : i32
        %add3A_236 = arith.addi %select_n3A_235, %mul3A_6 : i32
        %jit3A_237 = arith.constant 8 : i32
        %div3A_238 = arith.divsi %add3A_209, %jit3A_237 : i32
        %sign3A_239 = arith.constant 0 : i32
        %sign3A_240 = arith.cmpi sgt, %add3A_209, %sign3A_239 : i32
        %sign3A_241 = arith.extui %sign3A_240 : i1 to i32
        %sign3A_242 = arith.constant 0 : i32
        %sign3A_243 = arith.cmpi slt, %add3A_209, %sign3A_242 : i32
        %sign3A_244 = arith.extui %sign3A_243 : i1 to i32
        %sign3A_245 = arith.subi %sign3A_241, %sign3A_244 : i32
        %sign3A_246 = arith.constant 0 : i32
        %sign3A_247 = arith.cmpi sgt, %jit3A_237, %sign3A_246 : i32
        %sign3A_248 = arith.extui %sign3A_247 : i1 to i32
        %sign3A_249 = arith.constant 0 : i32
        %sign3A_250 = arith.cmpi slt, %jit3A_237, %sign3A_249 : i32
        %sign3A_251 = arith.extui %sign3A_250 : i1 to i32
        %sign3A_252 = arith.subi %sign3A_248, %sign3A_251 : i32
        %ne3A_253 = arith.cmpi ne, %sign3A_245, %sign3A_252 : i32
        %rem3A_254 = arith.remsi %add3A_209, %jit3A_237 : i32
        %ne3A_255 = arith.constant 0 : i32
        %ne3A_256 = arith.cmpi ne, %rem3A_254, %ne3A_255 : i32
        %and3A_257 = arith.andi %ne3A_253, %ne3A_256 : i1
        %sub3A_258 = arith.constant 1 : i32
        %sub3A_259 = arith.subi %div3A_238, %sub3A_258 : i32
        %select_n3A_260 = arith.select %and3A_257, %sub3A_259, %div3A_238 : i32
        %jit3A_261 = arith.constant 8 : i32
        %eq3A_262 = arith.constant 0 : i32
        %eq3A_263 = arith.cmpi eq, %jit3A_261, %eq3A_262 : i32
        %jit3A_264 = arith.constant 1 : i32
        %select_n3A_265 = arith.select %eq3A_263, %jit3A_264, %jit3A_261 : i32
        %rem3A_266 = arith.remsi %add3A_209, %select_n3A_265 : i32
        %ne3A_267 = arith.constant 0 : i32
        %ne3A_268 = arith.cmpi ne, %rem3A_266, %ne3A_267 : i32
        %lt3A_269 = arith.constant 0 : i32
        %lt3A_270 = arith.cmpi slt, %rem3A_266, %lt3A_269 : i32
        %lt3A_271 = arith.constant 0 : i32
        %lt3A_272 = arith.cmpi slt, %select_n3A_265, %lt3A_271 : i32
        %ne3A_273 = arith.xori %lt3A_270, %lt3A_272 : i1
        %and3A_274 = arith.andi %ne3A_273, %ne3A_268 : i1
        %add3A_275 = arith.addi %rem3A_266, %select_n3A_265 : i32
        %select_n3A_276 = arith.select %and3A_274, %add3A_275, %rem3A_266 : i32
        %jit3A_277 = arith.constant 8 : i32
        %div3A_278 = arith.divsi %add3A_227, %jit3A_277 : i32
        %sign3A_279 = arith.constant 0 : i32
        %sign3A_280 = arith.cmpi sgt, %add3A_227, %sign3A_279 : i32
        %sign3A_281 = arith.extui %sign3A_280 : i1 to i32
        %sign3A_282 = arith.constant 0 : i32
        %sign3A_283 = arith.cmpi slt, %add3A_227, %sign3A_282 : i32
        %sign3A_284 = arith.extui %sign3A_283 : i1 to i32
        %sign3A_285 = arith.subi %sign3A_281, %sign3A_284 : i32
        %sign3A_286 = arith.constant 0 : i32
        %sign3A_287 = arith.cmpi sgt, %jit3A_277, %sign3A_286 : i32
        %sign3A_288 = arith.extui %sign3A_287 : i1 to i32
        %sign3A_289 = arith.constant 0 : i32
        %sign3A_290 = arith.cmpi slt, %jit3A_277, %sign3A_289 : i32
        %sign3A_291 = arith.extui %sign3A_290 : i1 to i32
        %sign3A_292 = arith.subi %sign3A_288, %sign3A_291 : i32
        %ne3A_293 = arith.cmpi ne, %sign3A_285, %sign3A_292 : i32
        %rem3A_294 = arith.remsi %add3A_227, %jit3A_277 : i32
        %ne3A_295 = arith.constant 0 : i32
        %ne3A_296 = arith.cmpi ne, %rem3A_294, %ne3A_295 : i32
        %and3A_297 = arith.andi %ne3A_293, %ne3A_296 : i1
        %sub3A_298 = arith.constant 1 : i32
        %sub3A_299 = arith.subi %div3A_278, %sub3A_298 : i32
        %select_n3A_300 = arith.select %and3A_297, %sub3A_299, %div3A_278 : i32
        %jit3A_301 = arith.constant 8 : i32
        %eq3A_302 = arith.constant 0 : i32
        %eq3A_303 = arith.cmpi eq, %jit3A_301, %eq3A_302 : i32
        %jit3A_304 = arith.constant 1 : i32
        %select_n3A_305 = arith.select %eq3A_303, %jit3A_304, %jit3A_301 : i32
        %rem3A_306 = arith.remsi %add3A_227, %select_n3A_305 : i32
        %ne3A_307 = arith.constant 0 : i32
        %ne3A_308 = arith.cmpi ne, %rem3A_306, %ne3A_307 : i32
        %lt3A_309 = arith.constant 0 : i32
        %lt3A_310 = arith.cmpi slt, %rem3A_306, %lt3A_309 : i32
        %lt3A_311 = arith.constant 0 : i32
        %lt3A_312 = arith.cmpi slt, %select_n3A_305, %lt3A_311 : i32
        %ne3A_313 = arith.xori %lt3A_310, %lt3A_312 : i1
        %and3A_314 = arith.andi %ne3A_313, %ne3A_308 : i1
        %add3A_315 = arith.addi %rem3A_306, %select_n3A_305 : i32
        %select_n3A_316 = arith.select %and3A_314, %add3A_315, %rem3A_306 : i32
        %ne3A_317 = arith.cmpi ne, %select_n3A_260, %select_n3A_300 : i32
        %ne3A_318 = arith.cmpi ne, %select_n3A_276, %select_n3A_316 : i32
        %or3A = arith.constant false
        %or3A_319 = arith.ori %or3A, %ne3A_317 : i1
        %or3A_320 = arith.ori %or3A_319, %ne3A_318 : i1
        %ge3A = arith.constant 49 : i32
        %ge3A_321 = arith.cmpi sge, %scan3A_199, %ge3A : i32
        %not3A = arith.constant true
        %not3A_322 = arith.xori %ge3A_321, %not3A : i1
        %and3A_323 = arith.andi %or3A_320, %not3A_322 : i1
        %convert_element_type3A = arith.extui %and3A_323 : i1 to i32
        %cond3A = arith.constant 0 : i32
        %cond3A_324 = arith.cmpi ne, %convert_element_type3A, %cond3A : i32
        scf.if %cond3A_324 {
          "tpu.trace_start"() <{level = 10 : i32, message = "ep_copy_in"}> : () -> ()
          %rem3A_1083 = arith.constant 2 : i32
          %rem3A_1084 = arith.remui %scan3A_200, %rem3A_1083 : i32
          %jit3A_1085 = arith.constant 8 : i32
          %div3A_1086 = arith.divsi %add3A_227, %jit3A_1085 : i32
          %sign3A_1087 = arith.constant 0 : i32
          %sign3A_1088 = arith.cmpi sgt, %add3A_227, %sign3A_1087 : i32
          %sign3A_1089 = arith.extui %sign3A_1088 : i1 to i32
          %sign3A_1090 = arith.constant 0 : i32
          %sign3A_1091 = arith.cmpi slt, %add3A_227, %sign3A_1090 : i32
          %sign3A_1092 = arith.extui %sign3A_1091 : i1 to i32
          %sign3A_1093 = arith.subi %sign3A_1089, %sign3A_1092 : i32
          %sign3A_1094 = arith.constant 0 : i32
          %sign3A_1095 = arith.cmpi sgt, %jit3A_1085, %sign3A_1094 : i32
          %sign3A_1096 = arith.extui %sign3A_1095 : i1 to i32
          %sign3A_1097 = arith.constant 0 : i32
          %sign3A_1098 = arith.cmpi slt, %jit3A_1085, %sign3A_1097 : i32
          %sign3A_1099 = arith.extui %sign3A_1098 : i1 to i32
          %sign3A_1100 = arith.subi %sign3A_1096, %sign3A_1099 : i32
          %ne3A_1101 = arith.cmpi ne, %sign3A_1093, %sign3A_1100 : i32
          %rem3A_1102 = arith.remsi %add3A_227, %jit3A_1085 : i32
          %ne3A_1103 = arith.constant 0 : i32
          %ne3A_1104 = arith.cmpi ne, %rem3A_1102, %ne3A_1103 : i32
          %and3A_1105 = arith.andi %ne3A_1101, %ne3A_1104 : i1
          %sub3A_1106 = arith.constant 1 : i32
          %sub3A_1107 = arith.subi %div3A_1086, %sub3A_1106 : i32
          %select_n3A_1108 = arith.select %and3A_1105, %sub3A_1107, %div3A_1086 : i32
          %jit3A_1109 = arith.constant 8 : i32
          %eq3A_1110 = arith.constant 0 : i32
          %eq3A_1111 = arith.cmpi eq, %jit3A_1109, %eq3A_1110 : i32
          %jit3A_1112 = arith.constant 1 : i32
          %select_n3A_1113 = arith.select %eq3A_1111, %jit3A_1112, %jit3A_1109 : i32
          %rem3A_1114 = arith.remsi %add3A_227, %select_n3A_1113 : i32
          %ne3A_1115 = arith.constant 0 : i32
          %ne3A_1116 = arith.cmpi ne, %rem3A_1114, %ne3A_1115 : i32
          %lt3A_1117 = arith.constant 0 : i32
          %lt3A_1118 = arith.cmpi slt, %rem3A_1114, %lt3A_1117 : i32
          %lt3A_1119 = arith.constant 0 : i32
          %lt3A_1120 = arith.cmpi slt, %select_n3A_1113, %lt3A_1119 : i32
          %ne3A_1121 = arith.xori %lt3A_1118, %lt3A_1120 : i1
          %and3A_1122 = arith.andi %ne3A_1121, %ne3A_1116 : i1
          %add3A_1123 = arith.addi %rem3A_1114, %select_n3A_1113 : i32
          %select_n3A_1124 = arith.select %and3A_1122, %add3A_1123, %rem3A_1114 : i32
          %mul3A_1125 = arith.constant 1 : i32
          %mul3A_1126 = arith.muli %mul3A_1125, %select_n3A_1108 : i32
          %mul3A_1127 = arith.constant 128 : i32
          %mul3A_1128 = arith.muli %mul3A_1127, %select_n3A_1124 : i32
          %dma_start3A_1129 = arith.constant 0 : i32
          %dma_start3A_1130 = arith.constant 0 : i32
          %dma_start3A_1131 = tpu.memref_slice %run_scoped3A[%rem3A_1084, %dma_start3A_1129, %dma_start3A_1130] : memref<2x1x128xi32, #tpu.memory_space<vmem>> -> memref<1x1x128xi32, #tpu.memory_space<vmem>>
          %dma_start3A_1132 = tpu.memref_squeeze %dma_start3A_1131 : memref<1x1x128xi32, #tpu.memory_space<vmem>> -> memref<1x128xi32, #tpu.memory_space<vmem>>
          %dma_start3A_1133 = tpu.memref_slice %arg3[%mul3A_1126, %mul3A_1128] : memref<200x1024xi32, #tpu.memory_space<hbm>> -> memref<1x128xi32, #tpu.memory_space<hbm>>
          %dma_start3A_1134 = tpu.memref_slice %run_scoped3A_7[%rem3A_1084] : memref<2x!tpu.dma_semaphore, #tpu.memory_space<semaphore_mem>> -> memref<1x!tpu.dma_semaphore, #tpu.memory_space<semaphore_mem>>
          %dma_start3A_1135 = tpu.memref_squeeze %dma_start3A_1134 : memref<1x!tpu.dma_semaphore, #tpu.memory_space<semaphore_mem>> -> memref<!tpu.dma_semaphore, #tpu.memory_space<semaphore_mem>>
          %dma_start3A_1136 = arith.constant 0 : i32
          %dma_start3A_1137 = arith.constant 0 : i32
          %dma_start3A_1138 = tpu.memref_slice %run_scoped3A[%rem3A_1084, %dma_start3A_1136, %dma_start3A_1137] : memref<2x1x128xi32, #tpu.memory_space<vmem>> -> memref<1x1x128xi32, #tpu.memory_space<vmem>>
          %dma_start3A_1139 = tpu.memref_squeeze %dma_start3A_1138 : memref<1x1x128xi32, #tpu.memory_space<vmem>> -> memref<1x128xi32, #tpu.memory_space<vmem>>
          %dma_start3A_1140 = tpu.memref_slice %arg3[%mul3A_1126, %mul3A_1128] : memref<200x1024xi32, #tpu.memory_space<hbm>> -> memref<1x128xi32, #tpu.memory_space<hbm>>
          tpu.enqueue_dma source(%dma_start3A_1140 : memref<1x128xi32, #tpu.memory_space<hbm>>) target(%dma_start3A_1139 : memref<1x128xi32, #tpu.memory_space<vmem>>) target_semaphore(%dma_start3A_1135 : memref<!tpu.dma_semaphore, #tpu.memory_space<semaphore_mem>>)
          "tpu.trace_stop"() : () -> ()
        } else {
        }
        %and3A_325 = arith.constant true
        %and3A_326 = arith.andi %and3A_323, %and3A_325 : i1
        %add3A_327 = arith.constant 1 : i32
        %add3A_328 = arith.addi %scan3A_200, %add3A_327 : i32
        %select_n3A_329 = arith.select %and3A_326, %add3A_328, %scan3A_200 : i32
        %jit3A_330 = arith.constant 8 : i32
        %div3A_331 = arith.divsi %add3A_209, %jit3A_330 : i32
        %sign3A_332 = arith.constant 0 : i32
        %sign3A_333 = arith.cmpi sgt, %add3A_209, %sign3A_332 : i32
        %sign3A_334 = arith.extui %sign3A_333 : i1 to i32
        %sign3A_335 = arith.constant 0 : i32
        %sign3A_336 = arith.cmpi slt, %add3A_209, %sign3A_335 : i32
        %sign3A_337 = arith.extui %sign3A_336 : i1 to i32
        %sign3A_338 = arith.subi %sign3A_334, %sign3A_337 : i32
        %sign3A_339 = arith.constant 0 : i32
        %sign3A_340 = arith.cmpi sgt, %jit3A_330, %sign3A_339 : i32
        %sign3A_341 = arith.extui %sign3A_340 : i1 to i32
        %sign3A_342 = arith.constant 0 : i32
        %sign3A_343 = arith.cmpi slt, %jit3A_330, %sign3A_342 : i32
        %sign3A_344 = arith.extui %sign3A_343 : i1 to i32
        %sign3A_345 = arith.subi %sign3A_341, %sign3A_344 : i32
        %ne3A_346 = arith.cmpi ne, %sign3A_338, %sign3A_345 : i32
        %rem3A_347 = arith.remsi %add3A_209, %jit3A_330 : i32
        %ne3A_348 = arith.constant 0 : i32
        %ne3A_349 = arith.cmpi ne, %rem3A_347, %ne3A_348 : i32
        %and3A_350 = arith.andi %ne3A_346, %ne3A_349 : i1
        %sub3A_351 = arith.constant 1 : i32
        %sub3A_352 = arith.subi %div3A_331, %sub3A_351 : i32
        %select_n3A_353 = arith.select %and3A_350, %sub3A_352, %div3A_331 : i32
        %jit3A_354 = arith.constant 8 : i32
        %eq3A_355 = arith.constant 0 : i32
        %eq3A_356 = arith.cmpi eq, %jit3A_354, %eq3A_355 : i32
        %jit3A_357 = arith.constant 1 : i32
        %select_n3A_358 = arith.select %eq3A_356, %jit3A_357, %jit3A_354 : i32
        %rem3A_359 = arith.remsi %add3A_209, %select_n3A_358 : i32
        %ne3A_360 = arith.constant 0 : i32
        %ne3A_361 = arith.cmpi ne, %rem3A_359, %ne3A_360 : i32
        %lt3A_362 = arith.constant 0 : i32
        %lt3A_363 = arith.cmpi slt, %rem3A_359, %lt3A_362 : i32
        %lt3A_364 = arith.constant 0 : i32
        %lt3A_365 = arith.cmpi slt, %select_n3A_358, %lt3A_364 : i32
        %ne3A_366 = arith.xori %lt3A_363, %lt3A_365 : i1
        %and3A_367 = arith.andi %ne3A_366, %ne3A_361 : i1
        %add3A_368 = arith.addi %rem3A_359, %select_n3A_358 : i32
        %select_n3A_369 = arith.select %and3A_367, %add3A_368, %rem3A_359 : i32
        %jit3A_370 = arith.constant 8 : i32
        %div3A_371 = arith.divsi %add3A_227, %jit3A_370 : i32
        %sign3A_372 = arith.constant 0 : i32
        %sign3A_373 = arith.cmpi sgt, %add3A_227, %sign3A_372 : i32
        %sign3A_374 = arith.extui %sign3A_373 : i1 to i32
        %sign3A_375 = arith.constant 0 : i32
        %sign3A_376 = arith.cmpi slt, %add3A_227, %sign3A_375 : i32
        %sign3A_377 = arith.extui %sign3A_376 : i1 to i32
        %sign3A_378 = arith.subi %sign3A_374, %sign3A_377 : i32
        %sign3A_379 = arith.constant 0 : i32
        %sign3A_380 = arith.cmpi sgt, %jit3A_370, %sign3A_379 : i32
        %sign3A_381 = arith.extui %sign3A_380 : i1 to i32
        %sign3A_382 = arith.constant 0 : i32
        %sign3A_383 = arith.cmpi slt, %jit3A_370, %sign3A_382 : i32
        %sign3A_384 = arith.extui %sign3A_383 : i1 to i32
        %sign3A_385 = arith.subi %sign3A_381, %sign3A_384 : i32
        %ne3A_386 = arith.cmpi ne, %sign3A_378, %sign3A_385 : i32
        %rem3A_387 = arith.remsi %add3A_227, %jit3A_370 : i32
        %ne3A_388 = arith.constant 0 : i32
        %ne3A_389 = arith.cmpi ne, %rem3A_387, %ne3A_388 : i32
        %and3A_390 = arith.andi %ne3A_386, %ne3A_389 : i1
        %sub3A_391 = arith.constant 1 : i32
        %sub3A_392 = arith.subi %div3A_371, %sub3A_391 : i32
        %select_n3A_393 = arith.select %and3A_390, %sub3A_392, %div3A_371 : i32
        %jit3A_394 = arith.constant 8 : i32
        %eq3A_395 = arith.constant 0 : i32
        %eq3A_396 = arith.cmpi eq, %jit3A_394, %eq3A_395 : i32
        %jit3A_397 = arith.constant 1 : i32
        %select_n3A_398 = arith.select %eq3A_396, %jit3A_397, %jit3A_394 : i32
        %rem3A_399 = arith.remsi %add3A_227, %select_n3A_398 : i32
        %ne3A_400 = arith.constant 0 : i32
        %ne3A_401 = arith.cmpi ne, %rem3A_399, %ne3A_400 : i32
        %lt3A_402 = arith.constant 0 : i32
        %lt3A_403 = arith.cmpi slt, %rem3A_399, %lt3A_402 : i32
        %lt3A_404 = arith.constant 0 : i32
        %lt3A_405 = arith.cmpi slt, %select_n3A_398, %lt3A_404 : i32
        %ne3A_406 = arith.xori %lt3A_403, %lt3A_405 : i1
        %and3A_407 = arith.andi %ne3A_406, %ne3A_401 : i1
        %add3A_408 = arith.addi %rem3A_399, %select_n3A_398 : i32
        %select_n3A_409 = arith.select %and3A_407, %add3A_408, %rem3A_399 : i32
        %ne3A_410 = arith.cmpi ne, %select_n3A_353, %select_n3A_393 : i32
        %ne3A_411 = arith.cmpi ne, %select_n3A_369, %select_n3A_409 : i32
        %or3A_412 = arith.constant false
        %or3A_413 = arith.ori %or3A_412, %ne3A_410 : i1
        %or3A_414 = arith.ori %or3A_413, %ne3A_411 : i1
        %or3A_415 = arith.constant false
        %or3A_416 = arith.ori %or3A_414, %or3A_415 : i1
        %ge3A_417 = arith.constant 49 : i32
        %ge3A_418 = arith.cmpi sge, %scan3A_199, %ge3A_417 : i32
        %not3A_419 = arith.constant true
        %not3A_420 = arith.xori %ge3A_418, %not3A_419 : i1
        %and3A_421 = arith.andi %or3A_416, %not3A_420 : i1
        %jit3A_422 = arith.constant 8 : i32
        %div3A_423 = arith.divsi %add3A_209, %jit3A_422 : i32
        %sign3A_424 = arith.constant 0 : i32
        %sign3A_425 = arith.cmpi sgt, %add3A_209, %sign3A_424 : i32
        %sign3A_426 = arith.extui %sign3A_425 : i1 to i32
        %sign3A_427 = arith.constant 0 : i32
        %sign3A_428 = arith.cmpi slt, %add3A_209, %sign3A_427 : i32
        %sign3A_429 = arith.extui %sign3A_428 : i1 to i32
        %sign3A_430 = arith.subi %sign3A_426, %sign3A_429 : i32
        %sign3A_431 = arith.constant 0 : i32
        %sign3A_432 = arith.cmpi sgt, %jit3A_422, %sign3A_431 : i32
        %sign3A_433 = arith.extui %sign3A_432 : i1 to i32
        %sign3A_434 = arith.constant 0 : i32
        %sign3A_435 = arith.cmpi slt, %jit3A_422, %sign3A_434 : i32
        %sign3A_436 = arith.extui %sign3A_435 : i1 to i32
        %sign3A_437 = arith.subi %sign3A_433, %sign3A_436 : i32
        %ne3A_438 = arith.cmpi ne, %sign3A_430, %sign3A_437 : i32
        %rem3A_439 = arith.remsi %add3A_209, %jit3A_422 : i32
        %ne3A_440 = arith.constant 0 : i32
        %ne3A_441 = arith.cmpi ne, %rem3A_439, %ne3A_440 : i32
        %and3A_442 = arith.andi %ne3A_438, %ne3A_441 : i1
        %sub3A_443 = arith.constant 1 : i32
        %sub3A_444 = arith.subi %div3A_423, %sub3A_443 : i32
        %select_n3A_445 = arith.select %and3A_442, %sub3A_444, %div3A_423 : i32
        %jit3A_446 = arith.constant 8 : i32
        %eq3A_447 = arith.constant 0 : i32
        %eq3A_448 = arith.cmpi eq, %jit3A_446, %eq3A_447 : i32
        %jit3A_449 = arith.constant 1 : i32
        %select_n3A_450 = arith.select %eq3A_448, %jit3A_449, %jit3A_446 : i32
        %rem3A_451 = arith.remsi %add3A_209, %select_n3A_450 : i32
        %ne3A_452 = arith.constant 0 : i32
        %ne3A_453 = arith.cmpi ne, %rem3A_451, %ne3A_452 : i32
        %lt3A_454 = arith.constant 0 : i32
        %lt3A_455 = arith.cmpi slt, %rem3A_451, %lt3A_454 : i32
        %lt3A_456 = arith.constant 0 : i32
        %lt3A_457 = arith.cmpi slt, %select_n3A_450, %lt3A_456 : i32
        %ne3A_458 = arith.xori %lt3A_455, %lt3A_457 : i1
        %and3A_459 = arith.andi %ne3A_458, %ne3A_453 : i1
        %add3A_460 = arith.addi %rem3A_451, %select_n3A_450 : i32
        %select_n3A_461 = arith.select %and3A_459, %add3A_460, %rem3A_451 : i32
        %jit3A_462 = arith.constant 8 : i32
        %div3A_463 = arith.divsi %add3A_218, %jit3A_462 : i32
        %sign3A_464 = arith.constant 0 : i32
        %sign3A_465 = arith.cmpi sgt, %add3A_218, %sign3A_464 : i32
        %sign3A_466 = arith.extui %sign3A_465 : i1 to i32
        %sign3A_467 = arith.constant 0 : i32
        %sign3A_468 = arith.cmpi slt, %add3A_218, %sign3A_467 : i32
        %sign3A_469 = arith.extui %sign3A_468 : i1 to i32
        %sign3A_470 = arith.subi %sign3A_466, %sign3A_469 : i32
        %sign3A_471 = arith.constant 0 : i32
        %sign3A_472 = arith.cmpi sgt, %jit3A_462, %sign3A_471 : i32
        %sign3A_473 = arith.extui %sign3A_472 : i1 to i32
        %sign3A_474 = arith.constant 0 : i32
        %sign3A_475 = arith.cmpi slt, %jit3A_462, %sign3A_474 : i32
        %sign3A_476 = arith.extui %sign3A_475 : i1 to i32
        %sign3A_477 = arith.subi %sign3A_473, %sign3A_476 : i32
        %ne3A_478 = arith.cmpi ne, %sign3A_470, %sign3A_477 : i32
        %rem3A_479 = arith.remsi %add3A_218, %jit3A_462 : i32
        %ne3A_480 = arith.constant 0 : i32
        %ne3A_481 = arith.cmpi ne, %rem3A_479, %ne3A_480 : i32
        %and3A_482 = arith.andi %ne3A_478, %ne3A_481 : i1
        %sub3A_483 = arith.constant 1 : i32
        %sub3A_484 = arith.subi %div3A_463, %sub3A_483 : i32
        %select_n3A_485 = arith.select %and3A_482, %sub3A_484, %div3A_463 : i32
        %jit3A_486 = arith.constant 8 : i32
        %eq3A_487 = arith.constant 0 : i32
        %eq3A_488 = arith.cmpi eq, %jit3A_486, %eq3A_487 : i32
        %jit3A_489 = arith.constant 1 : i32
        %select_n3A_490 = arith.select %eq3A_488, %jit3A_489, %jit3A_486 : i32
        %rem3A_491 = arith.remsi %add3A_218, %select_n3A_490 : i32
        %ne3A_492 = arith.constant 0 : i32
        %ne3A_493 = arith.cmpi ne, %rem3A_491, %ne3A_492 : i32
        %lt3A_494 = arith.constant 0 : i32
        %lt3A_495 = arith.cmpi slt, %rem3A_491, %lt3A_494 : i32
        %lt3A_496 = arith.constant 0 : i32
        %lt3A_497 = arith.cmpi slt, %select_n3A_490, %lt3A_496 : i32
        %ne3A_498 = arith.xori %lt3A_495, %lt3A_497 : i1
        %and3A_499 = arith.andi %ne3A_498, %ne3A_493 : i1
        %add3A_500 = arith.addi %rem3A_491, %select_n3A_490 : i32
        %select_n3A_501 = arith.select %and3A_499, %add3A_500, %rem3A_491 : i32
        %ne3A_502 = arith.cmpi ne, %select_n3A_445, %select_n3A_485 : i32
        %ne3A_503 = arith.cmpi ne, %select_n3A_461, %select_n3A_501 : i32
        %or3A_504 = arith.constant false
        %or3A_505 = arith.ori %or3A_504, %ne3A_502 : i1
        %or3A_506 = arith.ori %or3A_505, %ne3A_503 : i1
        %or3A_507 = arith.ori %or3A_506, %eq3A_206 : i1
        %convert_element_type3A_508 = arith.extui %or3A_507 : i1 to i32
        %cond3A_509 = arith.constant 0 : i32
        %cond3A_510 = arith.cmpi ne, %convert_element_type3A_508, %cond3A_509 : i32
        scf.if %cond3A_510 {
          %jit3A_1083 = arith.constant 8 : i32
          "tpu.trace_start"() <{level = 10 : i32, message = "ep_wait_in"}> : () -> ()
          %div3A_1084 = arith.divsi %add3A_209, %jit3A_1083 : i32
          %sign3A_1085 = arith.constant 0 : i32
          %sign3A_1086 = arith.cmpi sgt, %add3A_209, %sign3A_1085 : i32
          %sign3A_1087 = arith.extui %sign3A_1086 : i1 to i32
          %sign3A_1088 = arith.constant 0 : i32
          %sign3A_1089 = arith.cmpi slt, %add3A_209, %sign3A_1088 : i32
          %sign3A_1090 = arith.extui %sign3A_1089 : i1 to i32
          %sign3A_1091 = arith.subi %sign3A_1087, %sign3A_1090 : i32
          %sign3A_1092 = arith.constant 0 : i32
          %sign3A_1093 = arith.cmpi sgt, %jit3A_1083, %sign3A_1092 : i32
          %sign3A_1094 = arith.extui %sign3A_1093 : i1 to i32
          %sign3A_1095 = arith.constant 0 : i32
          %sign3A_1096 = arith.cmpi slt, %jit3A_1083, %sign3A_1095 : i32
          %sign3A_1097 = arith.extui %sign3A_1096 : i1 to i32
          %sign3A_1098 = arith.subi %sign3A_1094, %sign3A_1097 : i32
          %ne3A_1099 = arith.cmpi ne, %sign3A_1091, %sign3A_1098 : i32
          %rem3A_1100 = arith.remsi %add3A_209, %jit3A_1083 : i32
          %ne3A_1101 = arith.constant 0 : i32
          %ne3A_1102 = arith.cmpi ne, %rem3A_1100, %ne3A_1101 : i32
          %and3A_1103 = arith.andi %ne3A_1099, %ne3A_1102 : i1
          %sub3A_1104 = arith.constant 1 : i32
          %sub3A_1105 = arith.subi %div3A_1084, %sub3A_1104 : i32
          %select_n3A_1106 = arith.select %and3A_1103, %sub3A_1105, %div3A_1084 : i32
          %jit3A_1107 = arith.constant 8 : i32
          %eq3A_1108 = arith.constant 0 : i32
          %eq3A_1109 = arith.cmpi eq, %jit3A_1107, %eq3A_1108 : i32
          %jit3A_1110 = arith.constant 1 : i32
          %select_n3A_1111 = arith.select %eq3A_1109, %jit3A_1110, %jit3A_1107 : i32
          %rem3A_1112 = arith.remsi %add3A_209, %select_n3A_1111 : i32
          %ne3A_1113 = arith.constant 0 : i32
          %ne3A_1114 = arith.cmpi ne, %rem3A_1112, %ne3A_1113 : i32
          %lt3A_1115 = arith.constant 0 : i32
          %lt3A_1116 = arith.cmpi slt, %rem3A_1112, %lt3A_1115 : i32
          %lt3A_1117 = arith.constant 0 : i32
          %lt3A_1118 = arith.cmpi slt, %select_n3A_1111, %lt3A_1117 : i32
          %ne3A_1119 = arith.xori %lt3A_1116, %lt3A_1118 : i1
          %and3A_1120 = arith.andi %ne3A_1119, %ne3A_1114 : i1
          %add3A_1121 = arith.addi %rem3A_1112, %select_n3A_1111 : i32
          %select_n3A_1122 = arith.select %and3A_1120, %add3A_1121, %rem3A_1112 : i32
          %mul3A_1123 = arith.constant 1 : i32
          %mul3A_1124 = arith.muli %mul3A_1123, %select_n3A_1106 : i32
          %mul3A_1125 = arith.constant 128 : i32
          %mul3A_1126 = arith.muli %mul3A_1125, %select_n3A_1122 : i32
          %rem3A_1127 = arith.constant 2 : i32
          %rem3A_1128 = arith.remui %scan3A_201, %rem3A_1127 : i32
          %dma_wait3A_1129 = arith.constant 0 : i32
          %dma_wait3A_1130 = arith.constant 0 : i32
          %dma_wait3A_1131 = tpu.memref_slice %run_scoped3A[%rem3A_1128, %dma_wait3A_1129, %dma_wait3A_1130] : memref<2x1x128xi32, #tpu.memory_space<vmem>> -> memref<1x1x128xi32, #tpu.memory_space<vmem>>
          %dma_wait3A_1132 = tpu.memref_squeeze %dma_wait3A_1131 : memref<1x1x128xi32, #tpu.memory_space<vmem>> -> memref<1x128xi32, #tpu.memory_space<vmem>>
          %dma_wait3A_1133 = tpu.memref_slice %arg3[%mul3A_1124, %mul3A_1126] : memref<200x1024xi32, #tpu.memory_space<hbm>> -> memref<1x128xi32, #tpu.memory_space<hbm>>
          %dma_wait3A_1134 = tpu.memref_slice %run_scoped3A_7[%rem3A_1128] : memref<2x!tpu.dma_semaphore, #tpu.memory_space<semaphore_mem>> -> memref<1x!tpu.dma_semaphore, #tpu.memory_space<semaphore_mem>>
          %dma_wait3A_1135 = tpu.memref_squeeze %dma_wait3A_1134 : memref<1x!tpu.dma_semaphore, #tpu.memory_space<semaphore_mem>> -> memref<!tpu.dma_semaphore, #tpu.memory_space<semaphore_mem>>
          %dma_wait3A_1136 = arith.constant 0 : i32
          %dma_wait3A_1137 = arith.constant 0 : i32
          %dma_wait3A_1138 = tpu.memref_slice %run_scoped3A[%rem3A_1128, %dma_wait3A_1136, %dma_wait3A_1137] : memref<2x1x128xi32, #tpu.memory_space<vmem>> -> memref<1x1x128xi32, #tpu.memory_space<vmem>>
          %dma_wait3A_1139 = tpu.memref_squeeze %dma_wait3A_1138 : memref<1x1x128xi32, #tpu.memory_space<vmem>> -> memref<1x128xi32, #tpu.memory_space<vmem>>
          %dma_wait3A_1140 = tpu.memref_slice %arg3[%mul3A_1124, %mul3A_1126] : memref<200x1024xi32, #tpu.memory_space<hbm>> -> memref<1x128xi32, #tpu.memory_space<hbm>>
          tpu.wait_dma2 semaphore(%dma_wait3A_1135 : memref<!tpu.dma_semaphore, #tpu.memory_space<semaphore_mem>>) src(%dma_wait3A_1140 : memref<1x128xi32, #tpu.memory_space<hbm>>) dst(%dma_wait3A_1139 : memref<1x128xi32, #tpu.memory_space<vmem>>)
          "tpu.trace_stop"() : () -> ()
        } else {
        }
        %jit3A_511 = arith.constant 8 : i32
        %div3A_512 = arith.divsi %add3A_209, %jit3A_511 : i32
        %sign3A_513 = arith.constant 0 : i32
        %sign3A_514 = arith.cmpi sgt, %add3A_209, %sign3A_513 : i32
        %sign3A_515 = arith.extui %sign3A_514 : i1 to i32
        %sign3A_516 = arith.constant 0 : i32
        %sign3A_517 = arith.cmpi slt, %add3A_209, %sign3A_516 : i32
        %sign3A_518 = arith.extui %sign3A_517 : i1 to i32
        %sign3A_519 = arith.subi %sign3A_515, %sign3A_518 : i32
        %sign3A_520 = arith.constant 0 : i32
        %sign3A_521 = arith.cmpi sgt, %jit3A_511, %sign3A_520 : i32
        %sign3A_522 = arith.extui %sign3A_521 : i1 to i32
        %sign3A_523 = arith.constant 0 : i32
        %sign3A_524 = arith.cmpi slt, %jit3A_511, %sign3A_523 : i32
        %sign3A_525 = arith.extui %sign3A_524 : i1 to i32
        %sign3A_526 = arith.subi %sign3A_522, %sign3A_525 : i32
        %ne3A_527 = arith.cmpi ne, %sign3A_519, %sign3A_526 : i32
        %rem3A_528 = arith.remsi %add3A_209, %jit3A_511 : i32
        %ne3A_529 = arith.constant 0 : i32
        %ne3A_530 = arith.cmpi ne, %rem3A_528, %ne3A_529 : i32
        %and3A_531 = arith.andi %ne3A_527, %ne3A_530 : i1
        %sub3A_532 = arith.constant 1 : i32
        %sub3A_533 = arith.subi %div3A_512, %sub3A_532 : i32
        %select_n3A_534 = arith.select %and3A_531, %sub3A_533, %div3A_512 : i32
        %jit3A_535 = arith.constant 8 : i32
        %eq3A_536 = arith.constant 0 : i32
        %eq3A_537 = arith.cmpi eq, %jit3A_535, %eq3A_536 : i32
        %jit3A_538 = arith.constant 1 : i32
        %select_n3A_539 = arith.select %eq3A_537, %jit3A_538, %jit3A_535 : i32
        %rem3A_540 = arith.remsi %add3A_209, %select_n3A_539 : i32
        %ne3A_541 = arith.constant 0 : i32
        %ne3A_542 = arith.cmpi ne, %rem3A_540, %ne3A_541 : i32
        %lt3A_543 = arith.constant 0 : i32
        %lt3A_544 = arith.cmpi slt, %rem3A_540, %lt3A_543 : i32
        %lt3A_545 = arith.constant 0 : i32
        %lt3A_546 = arith.cmpi slt, %select_n3A_539, %lt3A_545 : i32
        %ne3A_547 = arith.xori %lt3A_544, %lt3A_546 : i1
        %and3A_548 = arith.andi %ne3A_547, %ne3A_542 : i1
        %add3A_549 = arith.addi %rem3A_540, %select_n3A_539 : i32
        %select_n3A_550 = arith.select %and3A_548, %add3A_549, %rem3A_540 : i32
        %jit3A_551 = arith.constant 8 : i32
        %div3A_552 = arith.divsi %add3A_218, %jit3A_551 : i32
        %sign3A_553 = arith.constant 0 : i32
        %sign3A_554 = arith.cmpi sgt, %add3A_218, %sign3A_553 : i32
        %sign3A_555 = arith.extui %sign3A_554 : i1 to i32
        %sign3A_556 = arith.constant 0 : i32
        %sign3A_557 = arith.cmpi slt, %add3A_218, %sign3A_556 : i32
        %sign3A_558 = arith.extui %sign3A_557 : i1 to i32
        %sign3A_559 = arith.subi %sign3A_555, %sign3A_558 : i32
        %sign3A_560 = arith.constant 0 : i32
        %sign3A_561 = arith.cmpi sgt, %jit3A_551, %sign3A_560 : i32
        %sign3A_562 = arith.extui %sign3A_561 : i1 to i32
        %sign3A_563 = arith.constant 0 : i32
        %sign3A_564 = arith.cmpi slt, %jit3A_551, %sign3A_563 : i32
        %sign3A_565 = arith.extui %sign3A_564 : i1 to i32
        %sign3A_566 = arith.subi %sign3A_562, %sign3A_565 : i32
        %ne3A_567 = arith.cmpi ne, %sign3A_559, %sign3A_566 : i32
        %rem3A_568 = arith.remsi %add3A_218, %jit3A_551 : i32
        %ne3A_569 = arith.constant 0 : i32
        %ne3A_570 = arith.cmpi ne, %rem3A_568, %ne3A_569 : i32
        %and3A_571 = arith.andi %ne3A_567, %ne3A_570 : i1
        %sub3A_572 = arith.constant 1 : i32
        %sub3A_573 = arith.subi %div3A_552, %sub3A_572 : i32
        %select_n3A_574 = arith.select %and3A_571, %sub3A_573, %div3A_552 : i32
        %jit3A_575 = arith.constant 8 : i32
        %eq3A_576 = arith.constant 0 : i32
        %eq3A_577 = arith.cmpi eq, %jit3A_575, %eq3A_576 : i32
        %jit3A_578 = arith.constant 1 : i32
        %select_n3A_579 = arith.select %eq3A_577, %jit3A_578, %jit3A_575 : i32
        %rem3A_580 = arith.remsi %add3A_218, %select_n3A_579 : i32
        %ne3A_581 = arith.constant 0 : i32
        %ne3A_582 = arith.cmpi ne, %rem3A_580, %ne3A_581 : i32
        %lt3A_583 = arith.constant 0 : i32
        %lt3A_584 = arith.cmpi slt, %rem3A_580, %lt3A_583 : i32
        %lt3A_585 = arith.constant 0 : i32
        %lt3A_586 = arith.cmpi slt, %select_n3A_579, %lt3A_585 : i32
        %ne3A_587 = arith.xori %lt3A_584, %lt3A_586 : i1
        %and3A_588 = arith.andi %ne3A_587, %ne3A_582 : i1
        %add3A_589 = arith.addi %rem3A_580, %select_n3A_579 : i32
        %select_n3A_590 = arith.select %and3A_588, %add3A_589, %rem3A_580 : i32
        %ne3A_591 = arith.cmpi ne, %select_n3A_534, %select_n3A_574 : i32
        %ne3A_592 = arith.cmpi ne, %select_n3A_550, %select_n3A_590 : i32
        %or3A_593 = arith.constant false
        %or3A_594 = arith.ori %or3A_593, %ne3A_591 : i1
        %or3A_595 = arith.ori %or3A_594, %ne3A_592 : i1
        %or3A_596 = arith.constant false
        %or3A_597 = arith.ori %or3A_595, %or3A_596 : i1
        %or3A_598 = arith.ori %or3A_597, %eq3A_206 : i1
        %convert_element_type3A_599 = arith.extui %or3A_598 : i1 to i32
        %cond3A_600 = arith.constant 0 : i32
        %cond3A_601 = arith.cmpi ne, %convert_element_type3A_599, %cond3A_600 : i32
        scf.if %cond3A_601 {
        } else {
        }
        %rem3A_602 = arith.constant 2 : i32
        %rem3A_603 = arith.remui %scan3A_201, %rem3A_602 : i32
        %rem3A_604 = arith.constant 2 : i32
        %rem3A_605 = arith.remui %scan3A_202, %rem3A_604 : i32
        %run_scoped3A_606 = arith.constant 0 : i32
        %run_scoped3A_607 = arith.constant 0 : i32
        "tpu.trace_start"() <{level = 10 : i32, message = "ep_run_kernel"}> : () -> ()
        "tpu.region"() ({
          %run_scoped3A_1083 = tpu.sem_alloc : memref<!tpu.dma_semaphore, #tpu.memory_space<semaphore_mem>>
          %dma_start3A_1084 = arith.constant 0 : i32
          %dma_start3A_1085 = arith.constant 0 : i32
          %dma_start3A_1086 = arith.constant 0 : i32
          %dma_start3A_1087 = tpu.memref_slice %run_scoped3A_8[%rem3A_605, %dma_start3A_1084, %dma_start3A_1085, %dma_start3A_1086] : memref<2x1x128x64xf32, #tpu.memory_space<vmem>> -> memref<1x1x128x64xf32, #tpu.memory_space<vmem>>
          %dma_start3A_1088 = tpu.memref_squeeze %dma_start3A_1087 : memref<1x1x128x64xf32, #tpu.memory_space<vmem>> -> memref<1x128x64xf32, #tpu.memory_space<vmem>>
          %dma_start3A_1089 = arith.constant 0 : i32
          %dma_start3A_1090 = arith.constant 0 : i32
          %dma_start3A_1091 = tpu.memref_slice %dma_start3A_1088[%run_scoped3A_607, %dma_start3A_1089, %dma_start3A_1090] : memref<1x128x64xf32, #tpu.memory_space<vmem>> -> memref<1x128x64xf32, #tpu.memory_space<vmem>>
          %dma_start3A_1092 = tpu.memref_squeeze %dma_start3A_1091 : memref<1x128x64xf32, #tpu.memory_space<vmem>> -> memref<128x64xf32, #tpu.memory_space<vmem>>
          %dma_start3A_1093 = arith.constant 0 : i32
          %dma_start3A_1094 = arith.constant 0 : i32
          %dma_start3A_1095 = tpu.memref_slice %run_scoped3A[%rem3A_603, %dma_start3A_1093, %dma_start3A_1094] : memref<2x1x128xi32, #tpu.memory_space<vmem>> -> memref<1x1x128xi32, #tpu.memory_space<vmem>>
          %dma_start3A_1096 = tpu.memref_squeeze %dma_start3A_1095 : memref<1x1x128xi32, #tpu.memory_space<vmem>> -> memref<1x128xi32, #tpu.memory_space<vmem>>
          %dma_start3A_1097 = arith.constant 0 : i32
          %dma_start3A_1098 = tpu.memref_slice %dma_start3A_1096[%run_scoped3A_606, %dma_start3A_1097] : memref<1x128xi32, #tpu.memory_space<vmem>> -> memref<1x128xi32, #tpu.memory_space<vmem>>
          %dma_start3A_1099 = tpu.memref_squeeze %dma_start3A_1098 : memref<1x128xi32, #tpu.memory_space<vmem>> -> memref<128xi32, #tpu.memory_space<vmem>>
          %dma_start3A_1100 = arith.constant 0 : i32
          %dma_start3A_1101 = arith.constant 0 : i32
          %dma_start3A_1102 = tpu.memref_slice %arg2[%dma_start3A_1100, %dma_start3A_1101] : memref<200000x64xf32, #tpu.memory_space<hbm>> -> memref<200000x64xf32, #tpu.memory_space<hbm>>
          tpu.enqueue_indirect_dma source(%dma_start3A_1102 : memref<200000x64xf32, #tpu.memory_space<hbm>>) target(%dma_start3A_1092 : memref<128x64xf32, #tpu.memory_space<vmem>>) offsets(%dma_start3A_1099 : memref<128xi32, #tpu.memory_space<vmem>>) semaphore(%run_scoped3A_1083 : memref<!tpu.dma_semaphore, #tpu.memory_space<semaphore_mem>>)
          %dma_wait3A_1103 = arith.constant 0 : i32
          %dma_wait3A_1104 = arith.constant 0 : i32
          %dma_wait3A_1105 = arith.constant 0 : i32
          %dma_wait3A_1106 = tpu.memref_slice %run_scoped3A_8[%rem3A_605, %dma_wait3A_1103, %dma_wait3A_1104, %dma_wait3A_1105] : memref<2x1x128x64xf32, #tpu.memory_space<vmem>> -> memref<1x1x128x64xf32, #tpu.memory_space<vmem>>
          %dma_wait3A_1107 = tpu.memref_squeeze %dma_wait3A_1106 : memref<1x1x128x64xf32, #tpu.memory_space<vmem>> -> memref<1x128x64xf32, #tpu.memory_space<vmem>>
          %dma_wait3A_1108 = arith.constant 0 : i32
          %dma_wait3A_1109 = arith.constant 0 : i32
          %dma_wait3A_1110 = tpu.memref_slice %dma_wait3A_1107[%run_scoped3A_607, %dma_wait3A_1108, %dma_wait3A_1109] : memref<1x128x64xf32, #tpu.memory_space<vmem>> -> memref<1x128x64xf32, #tpu.memory_space<vmem>>
          %dma_wait3A_1111 = tpu.memref_squeeze %dma_wait3A_1110 : memref<1x128x64xf32, #tpu.memory_space<vmem>> -> memref<128x64xf32, #tpu.memory_space<vmem>>
          %dma_wait3A_1112 = arith.constant 0 : i32
          %dma_wait3A_1113 = arith.constant 0 : i32
          %dma_wait3A_1114 = tpu.memref_slice %run_scoped3A[%rem3A_603, %dma_wait3A_1112, %dma_wait3A_1113] : memref<2x1x128xi32, #tpu.memory_space<vmem>> -> memref<1x1x128xi32, #tpu.memory_space<vmem>>
          %dma_wait3A_1115 = tpu.memref_squeeze %dma_wait3A_1114 : memref<1x1x128xi32, #tpu.memory_space<vmem>> -> memref<1x128xi32, #tpu.memory_space<vmem>>
          %dma_wait3A_1116 = arith.constant 0 : i32
          %dma_wait3A_1117 = tpu.memref_slice %dma_wait3A_1115[%run_scoped3A_606, %dma_wait3A_1116] : memref<1x128xi32, #tpu.memory_space<vmem>> -> memref<1x128xi32, #tpu.memory_space<vmem>>
          %dma_wait3A_1118 = tpu.memref_squeeze %dma_wait3A_1117 : memref<1x128xi32, #tpu.memory_space<vmem>> -> memref<128xi32, #tpu.memory_space<vmem>>
          %dma_wait3A_1119 = arith.constant 0 : i32
          %dma_wait3A_1120 = arith.constant 0 : i32
          %dma_wait3A_1121 = tpu.memref_slice %arg2[%dma_wait3A_1119, %dma_wait3A_1120] : memref<200000x64xf32, #tpu.memory_space<hbm>> -> memref<200000x64xf32, #tpu.memory_space<hbm>>
          tpu.wait_indirect_dma semaphore(%run_scoped3A_1083 : memref<!tpu.dma_semaphore, #tpu.memory_space<semaphore_mem>>) src(%dma_wait3A_1121 : memref<200000x64xf32, #tpu.memory_space<hbm>>) dst(%dma_wait3A_1111 : memref<128x64xf32, #tpu.memory_space<vmem>>)
          tpu.yield
        }) : () -> ()
        %jit3A_608 = arith.constant 8 : i32
        "tpu.trace_stop"() : () -> ()
        %div3A_609 = arith.divsi %add3A_209, %jit3A_608 : i32
        %sign3A_610 = arith.constant 0 : i32
        %sign3A_611 = arith.cmpi sgt, %add3A_209, %sign3A_610 : i32
        %sign3A_612 = arith.extui %sign3A_611 : i1 to i32
        %sign3A_613 = arith.constant 0 : i32
        %sign3A_614 = arith.cmpi slt, %add3A_209, %sign3A_613 : i32
        %sign3A_615 = arith.extui %sign3A_614 : i1 to i32
        %sign3A_616 = arith.subi %sign3A_612, %sign3A_615 : i32
        %sign3A_617 = arith.constant 0 : i32
        %sign3A_618 = arith.cmpi sgt, %jit3A_608, %sign3A_617 : i32
        %sign3A_619 = arith.extui %sign3A_618 : i1 to i32
        %sign3A_620 = arith.constant 0 : i32
        %sign3A_621 = arith.cmpi slt, %jit3A_608, %sign3A_620 : i32
        %sign3A_622 = arith.extui %sign3A_621 : i1 to i32
        %sign3A_623 = arith.subi %sign3A_619, %sign3A_622 : i32
        %ne3A_624 = arith.cmpi ne, %sign3A_616, %sign3A_623 : i32
        %rem3A_625 = arith.remsi %add3A_209, %jit3A_608 : i32
        %ne3A_626 = arith.constant 0 : i32
        %ne3A_627 = arith.cmpi ne, %rem3A_625, %ne3A_626 : i32
        %and3A_628 = arith.andi %ne3A_624, %ne3A_627 : i1
        %sub3A_629 = arith.constant 1 : i32
        %sub3A_630 = arith.subi %div3A_609, %sub3A_629 : i32
        %select_n3A_631 = arith.select %and3A_628, %sub3A_630, %div3A_609 : i32
        %jit3A_632 = arith.constant 8 : i32
        %eq3A_633 = arith.constant 0 : i32
        %eq3A_634 = arith.cmpi eq, %jit3A_632, %eq3A_633 : i32
        %jit3A_635 = arith.constant 1 : i32
        %select_n3A_636 = arith.select %eq3A_634, %jit3A_635, %jit3A_632 : i32
        %rem3A_637 = arith.remsi %add3A_209, %select_n3A_636 : i32
        %ne3A_638 = arith.constant 0 : i32
        %ne3A_639 = arith.cmpi ne, %rem3A_637, %ne3A_638 : i32
        %lt3A_640 = arith.constant 0 : i32
        %lt3A_641 = arith.cmpi slt, %rem3A_637, %lt3A_640 : i32
        %lt3A_642 = arith.constant 0 : i32
        %lt3A_643 = arith.cmpi slt, %select_n3A_636, %lt3A_642 : i32
        %ne3A_644 = arith.xori %lt3A_641, %lt3A_643 : i1
        %and3A_645 = arith.andi %ne3A_644, %ne3A_639 : i1
        %add3A_646 = arith.addi %rem3A_637, %select_n3A_636 : i32
        %select_n3A_647 = arith.select %and3A_645, %add3A_646, %rem3A_637 : i32
        %jit3A_648 = arith.constant 8 : i32
        %div3A_649 = arith.divsi %add3A_227, %jit3A_648 : i32
        %sign3A_650 = arith.constant 0 : i32
        %sign3A_651 = arith.cmpi sgt, %add3A_227, %sign3A_650 : i32
        %sign3A_652 = arith.extui %sign3A_651 : i1 to i32
        %sign3A_653 = arith.constant 0 : i32
        %sign3A_654 = arith.cmpi slt, %add3A_227, %sign3A_653 : i32
        %sign3A_655 = arith.extui %sign3A_654 : i1 to i32
        %sign3A_656 = arith.subi %sign3A_652, %sign3A_655 : i32
        %sign3A_657 = arith.constant 0 : i32
        %sign3A_658 = arith.cmpi sgt, %jit3A_648, %sign3A_657 : i32
        %sign3A_659 = arith.extui %sign3A_658 : i1 to i32
        %sign3A_660 = arith.constant 0 : i32
        %sign3A_661 = arith.cmpi slt, %jit3A_648, %sign3A_660 : i32
        %sign3A_662 = arith.extui %sign3A_661 : i1 to i32
        %sign3A_663 = arith.subi %sign3A_659, %sign3A_662 : i32
        %ne3A_664 = arith.cmpi ne, %sign3A_656, %sign3A_663 : i32
        %rem3A_665 = arith.remsi %add3A_227, %jit3A_648 : i32
        %ne3A_666 = arith.constant 0 : i32
        %ne3A_667 = arith.cmpi ne, %rem3A_665, %ne3A_666 : i32
        %and3A_668 = arith.andi %ne3A_664, %ne3A_667 : i1
        %sub3A_669 = arith.constant 1 : i32
        %sub3A_670 = arith.subi %div3A_649, %sub3A_669 : i32
        %select_n3A_671 = arith.select %and3A_668, %sub3A_670, %div3A_649 : i32
        %jit3A_672 = arith.constant 8 : i32
        %eq3A_673 = arith.constant 0 : i32
        %eq3A_674 = arith.cmpi eq, %jit3A_672, %eq3A_673 : i32
        %jit3A_675 = arith.constant 1 : i32
        %select_n3A_676 = arith.select %eq3A_674, %jit3A_675, %jit3A_672 : i32
        %rem3A_677 = arith.remsi %add3A_227, %select_n3A_676 : i32
        %ne3A_678 = arith.constant 0 : i32
        %ne3A_679 = arith.cmpi ne, %rem3A_677, %ne3A_678 : i32
        %lt3A_680 = arith.constant 0 : i32
        %lt3A_681 = arith.cmpi slt, %rem3A_677, %lt3A_680 : i32
        %lt3A_682 = arith.constant 0 : i32
        %lt3A_683 = arith.cmpi slt, %select_n3A_676, %lt3A_682 : i32
        %ne3A_684 = arith.xori %lt3A_681, %lt3A_683 : i1
        %and3A_685 = arith.andi %ne3A_684, %ne3A_679 : i1
        %add3A_686 = arith.addi %rem3A_677, %select_n3A_676 : i32
        %select_n3A_687 = arith.select %and3A_685, %add3A_686, %rem3A_677 : i32
        %ne3A_688 = arith.cmpi ne, %select_n3A_631, %select_n3A_671 : i32
        %ne3A_689 = arith.cmpi ne, %select_n3A_647, %select_n3A_687 : i32
        %or3A_690 = arith.constant false
        %or3A_691 = arith.ori %or3A_690, %ne3A_688 : i1
        %or3A_692 = arith.ori %or3A_691, %ne3A_689 : i1
        %or3A_693 = arith.ori %or3A_692, %eq3A_208 : i1
        %convert_element_type3A_694 = arith.extui %or3A_693 : i1 to i32
        %cond3A_695 = arith.constant 0 : i32
        %cond3A_696 = arith.cmpi ne, %convert_element_type3A_694, %cond3A_695 : i32
        scf.if %cond3A_696 {
        } else {
        }
        %and3A_697 = arith.constant false
        %and3A_698 = arith.andi %or3A_693, %and3A_697 : i1
        %jit3A_699 = arith.constant 8 : i32
        %div3A_700 = arith.divsi %add3A_209, %jit3A_699 : i32
        %sign3A_701 = arith.constant 0 : i32
        %sign3A_702 = arith.cmpi sgt, %add3A_209, %sign3A_701 : i32
        %sign3A_703 = arith.extui %sign3A_702 : i1 to i32
        %sign3A_704 = arith.constant 0 : i32
        %sign3A_705 = arith.cmpi slt, %add3A_209, %sign3A_704 : i32
        %sign3A_706 = arith.extui %sign3A_705 : i1 to i32
        %sign3A_707 = arith.subi %sign3A_703, %sign3A_706 : i32
        %sign3A_708 = arith.constant 0 : i32
        %sign3A_709 = arith.cmpi sgt, %jit3A_699, %sign3A_708 : i32
        %sign3A_710 = arith.extui %sign3A_709 : i1 to i32
        %sign3A_711 = arith.constant 0 : i32
        %sign3A_712 = arith.cmpi slt, %jit3A_699, %sign3A_711 : i32
        %sign3A_713 = arith.extui %sign3A_712 : i1 to i32
        %sign3A_714 = arith.subi %sign3A_710, %sign3A_713 : i32
        %ne3A_715 = arith.cmpi ne, %sign3A_707, %sign3A_714 : i32
        %rem3A_716 = arith.remsi %add3A_209, %jit3A_699 : i32
        %ne3A_717 = arith.constant 0 : i32
        %ne3A_718 = arith.cmpi ne, %rem3A_716, %ne3A_717 : i32
        %and3A_719 = arith.andi %ne3A_715, %ne3A_718 : i1
        %sub3A_720 = arith.constant 1 : i32
        %sub3A_721 = arith.subi %div3A_700, %sub3A_720 : i32
        %select_n3A_722 = arith.select %and3A_719, %sub3A_721, %div3A_700 : i32
        %jit3A_723 = arith.constant 8 : i32
        %eq3A_724 = arith.constant 0 : i32
        %eq3A_725 = arith.cmpi eq, %jit3A_723, %eq3A_724 : i32
        %jit3A_726 = arith.constant 1 : i32
        %select_n3A_727 = arith.select %eq3A_725, %jit3A_726, %jit3A_723 : i32
        %rem3A_728 = arith.remsi %add3A_209, %select_n3A_727 : i32
        %ne3A_729 = arith.constant 0 : i32
        %ne3A_730 = arith.cmpi ne, %rem3A_728, %ne3A_729 : i32
        %lt3A_731 = arith.constant 0 : i32
        %lt3A_732 = arith.cmpi slt, %rem3A_728, %lt3A_731 : i32
        %lt3A_733 = arith.constant 0 : i32
        %lt3A_734 = arith.cmpi slt, %select_n3A_727, %lt3A_733 : i32
        %ne3A_735 = arith.xori %lt3A_732, %lt3A_734 : i1
        %and3A_736 = arith.andi %ne3A_735, %ne3A_730 : i1
        %add3A_737 = arith.addi %rem3A_728, %select_n3A_727 : i32
        %select_n3A_738 = arith.select %and3A_736, %add3A_737, %rem3A_728 : i32
        %jit3A_739 = arith.constant 8 : i32
        %div3A_740 = arith.divsi %add3A_227, %jit3A_739 : i32
        %sign3A_741 = arith.constant 0 : i32
        %sign3A_742 = arith.cmpi sgt, %add3A_227, %sign3A_741 : i32
        %sign3A_743 = arith.extui %sign3A_742 : i1 to i32
        %sign3A_744 = arith.constant 0 : i32
        %sign3A_745 = arith.cmpi slt, %add3A_227, %sign3A_744 : i32
        %sign3A_746 = arith.extui %sign3A_745 : i1 to i32
        %sign3A_747 = arith.subi %sign3A_743, %sign3A_746 : i32
        %sign3A_748 = arith.constant 0 : i32
        %sign3A_749 = arith.cmpi sgt, %jit3A_739, %sign3A_748 : i32
        %sign3A_750 = arith.extui %sign3A_749 : i1 to i32
        %sign3A_751 = arith.constant 0 : i32
        %sign3A_752 = arith.cmpi slt, %jit3A_739, %sign3A_751 : i32
        %sign3A_753 = arith.extui %sign3A_752 : i1 to i32
        %sign3A_754 = arith.subi %sign3A_750, %sign3A_753 : i32
        %ne3A_755 = arith.cmpi ne, %sign3A_747, %sign3A_754 : i32
        %rem3A_756 = arith.remsi %add3A_227, %jit3A_739 : i32
        %ne3A_757 = arith.constant 0 : i32
        %ne3A_758 = arith.cmpi ne, %rem3A_756, %ne3A_757 : i32
        %and3A_759 = arith.andi %ne3A_755, %ne3A_758 : i1
        %sub3A_760 = arith.constant 1 : i32
        %sub3A_761 = arith.subi %div3A_740, %sub3A_760 : i32
        %select_n3A_762 = arith.select %and3A_759, %sub3A_761, %div3A_740 : i32
        %jit3A_763 = arith.constant 8 : i32
        %eq3A_764 = arith.constant 0 : i32
        %eq3A_765 = arith.cmpi eq, %jit3A_763, %eq3A_764 : i32
        %jit3A_766 = arith.constant 1 : i32
        %select_n3A_767 = arith.select %eq3A_765, %jit3A_766, %jit3A_763 : i32
        %rem3A_768 = arith.remsi %add3A_227, %select_n3A_767 : i32
        %ne3A_769 = arith.constant 0 : i32
        %ne3A_770 = arith.cmpi ne, %rem3A_768, %ne3A_769 : i32
        %lt3A_771 = arith.constant 0 : i32
        %lt3A_772 = arith.cmpi slt, %rem3A_768, %lt3A_771 : i32
        %lt3A_773 = arith.constant 0 : i32
        %lt3A_774 = arith.cmpi slt, %select_n3A_767, %lt3A_773 : i32
        %ne3A_775 = arith.xori %lt3A_772, %lt3A_774 : i1
        %and3A_776 = arith.andi %ne3A_775, %ne3A_770 : i1
        %add3A_777 = arith.addi %rem3A_768, %select_n3A_767 : i32
        %select_n3A_778 = arith.select %and3A_776, %add3A_777, %rem3A_768 : i32
        %ne3A_779 = arith.cmpi ne, %select_n3A_722, %select_n3A_762 : i32
        %ne3A_780 = arith.cmpi ne, %select_n3A_738, %select_n3A_778 : i32
        %or3A_781 = arith.constant false
        %or3A_782 = arith.ori %or3A_781, %ne3A_779 : i1
        %or3A_783 = arith.ori %or3A_782, %ne3A_780 : i1
        %or3A_784 = arith.constant false
        %or3A_785 = arith.ori %or3A_783, %or3A_784 : i1
        %or3A_786 = arith.ori %or3A_785, %eq3A_208 : i1
        %convert_element_type3A_787 = arith.extui %or3A_786 : i1 to i32
        %cond3A_788 = arith.constant 0 : i32
        %cond3A_789 = arith.cmpi ne, %convert_element_type3A_787, %cond3A_788 : i32
        scf.if %cond3A_789 {
          "tpu.trace_start"() <{level = 10 : i32, message = "ep_copy_out"}> : () -> ()
          %rem3A_1083 = arith.constant 2 : i32
          %rem3A_1084 = arith.remui %scan3A_202, %rem3A_1083 : i32
          %jit3A_1085 = arith.constant 8 : i32
          %div3A_1086 = arith.divsi %add3A_209, %jit3A_1085 : i32
          %sign3A_1087 = arith.constant 0 : i32
          %sign3A_1088 = arith.cmpi sgt, %add3A_209, %sign3A_1087 : i32
          %sign3A_1089 = arith.extui %sign3A_1088 : i1 to i32
          %sign3A_1090 = arith.constant 0 : i32
          %sign3A_1091 = arith.cmpi slt, %add3A_209, %sign3A_1090 : i32
          %sign3A_1092 = arith.extui %sign3A_1091 : i1 to i32
          %sign3A_1093 = arith.subi %sign3A_1089, %sign3A_1092 : i32
          %sign3A_1094 = arith.constant 0 : i32
          %sign3A_1095 = arith.cmpi sgt, %jit3A_1085, %sign3A_1094 : i32
          %sign3A_1096 = arith.extui %sign3A_1095 : i1 to i32
          %sign3A_1097 = arith.constant 0 : i32
          %sign3A_1098 = arith.cmpi slt, %jit3A_1085, %sign3A_1097 : i32
          %sign3A_1099 = arith.extui %sign3A_1098 : i1 to i32
          %sign3A_1100 = arith.subi %sign3A_1096, %sign3A_1099 : i32
          %ne3A_1101 = arith.cmpi ne, %sign3A_1093, %sign3A_1100 : i32
          %rem3A_1102 = arith.remsi %add3A_209, %jit3A_1085 : i32
          %ne3A_1103 = arith.constant 0 : i32
          %ne3A_1104 = arith.cmpi ne, %rem3A_1102, %ne3A_1103 : i32
          %and3A_1105 = arith.andi %ne3A_1101, %ne3A_1104 : i1
          %sub3A_1106 = arith.constant 1 : i32
          %sub3A_1107 = arith.subi %div3A_1086, %sub3A_1106 : i32
          %select_n3A_1108 = arith.select %and3A_1105, %sub3A_1107, %div3A_1086 : i32
          %jit3A_1109 = arith.constant 8 : i32
          %eq3A_1110 = arith.constant 0 : i32
          %eq3A_1111 = arith.cmpi eq, %jit3A_1109, %eq3A_1110 : i32
          %jit3A_1112 = arith.constant 1 : i32
          %select_n3A_1113 = arith.select %eq3A_1111, %jit3A_1112, %jit3A_1109 : i32
          %rem3A_1114 = arith.remsi %add3A_209, %select_n3A_1113 : i32
          %ne3A_1115 = arith.constant 0 : i32
          %ne3A_1116 = arith.cmpi ne, %rem3A_1114, %ne3A_1115 : i32
          %lt3A_1117 = arith.constant 0 : i32
          %lt3A_1118 = arith.cmpi slt, %rem3A_1114, %lt3A_1117 : i32
          %lt3A_1119 = arith.constant 0 : i32
          %lt3A_1120 = arith.cmpi slt, %select_n3A_1113, %lt3A_1119 : i32
          %ne3A_1121 = arith.xori %lt3A_1118, %lt3A_1120 : i1
          %and3A_1122 = arith.andi %ne3A_1121, %ne3A_1116 : i1
          %add3A_1123 = arith.addi %rem3A_1114, %select_n3A_1113 : i32
          %select_n3A_1124 = arith.select %and3A_1122, %add3A_1123, %rem3A_1114 : i32
          %mul3A_1125 = arith.constant 1 : i32
          %mul3A_1126 = arith.muli %mul3A_1125, %select_n3A_1108 : i32
          %mul3A_1127 = arith.constant 128 : i32
          %mul3A_1128 = arith.muli %mul3A_1127, %select_n3A_1124 : i32
          %dma_start3A_1129 = arith.constant 0 : i32
          %dma_start3A_1130 = arith.constant 0 : i32
          %dma_start3A_1131 = arith.constant 0 : i32
          %dma_start3A_1132 = tpu.memref_slice %run_scoped3A_8[%rem3A_1084, %dma_start3A_1129, %dma_start3A_1130, %dma_start3A_1131] : memref<2x1x128x64xf32, #tpu.memory_space<vmem>> -> memref<1x1x128x64xf32, #tpu.memory_space<vmem>>
          %dma_start3A_1133 = tpu.memref_squeeze %dma_start3A_1132 : memref<1x1x128x64xf32, #tpu.memory_space<vmem>> -> memref<1x128x64xf32, #tpu.memory_space<vmem>>
          %dma_start3A_1134 = arith.constant 0 : i32
          %dma_start3A_1135 = tpu.memref_slice %arg4[%mul3A_1126, %mul3A_1128, %dma_start3A_1134] : memref<200x1024x64xf32, #tpu.memory_space<hbm>> -> memref<1x128x64xf32, #tpu.memory_space<hbm>>
          %dma_start3A_1136 = tpu.memref_slice %run_scoped3A_9[%rem3A_1084] : memref<2x!tpu.dma_semaphore, #tpu.memory_space<semaphore_mem>> -> memref<1x!tpu.dma_semaphore, #tpu.memory_space<semaphore_mem>>
          %dma_start3A_1137 = tpu.memref_squeeze %dma_start3A_1136 : memref<1x!tpu.dma_semaphore, #tpu.memory_space<semaphore_mem>> -> memref<!tpu.dma_semaphore, #tpu.memory_space<semaphore_mem>>
          %dma_start3A_1138 = arith.constant 0 : i32
          %dma_start3A_1139 = tpu.memref_slice %arg4[%mul3A_1126, %mul3A_1128, %dma_start3A_1138] : memref<200x1024x64xf32, #tpu.memory_space<hbm>> -> memref<1x128x64xf32, #tpu.memory_space<hbm>>
          %dma_start3A_1140 = arith.constant 0 : i32
          %dma_start3A_1141 = arith.constant 0 : i32
          %dma_start3A_1142 = arith.constant 0 : i32
          %dma_start3A_1143 = tpu.memref_slice %run_scoped3A_8[%rem3A_1084, %dma_start3A_1140, %dma_start3A_1141, %dma_start3A_1142] : memref<2x1x128x64xf32, #tpu.memory_space<vmem>> -> memref<1x1x128x64xf32, #tpu.memory_space<vmem>>
          %dma_start3A_1144 = tpu.memref_squeeze %dma_start3A_1143 : memref<1x1x128x64xf32, #tpu.memory_space<vmem>> -> memref<1x128x64xf32, #tpu.memory_space<vmem>>
          tpu.enqueue_dma source(%dma_start3A_1144 : memref<1x128x64xf32, #tpu.memory_space<vmem>>) target(%dma_start3A_1139 : memref<1x128x64xf32, #tpu.memory_space<hbm>>) target_semaphore(%dma_start3A_1137 : memref<!tpu.dma_semaphore, #tpu.memory_space<semaphore_mem>>)
          "tpu.trace_stop"() : () -> ()
        } else {
        }
        %and3A_790 = arith.constant true
        %and3A_791 = arith.andi %or3A_786, %and3A_790 : i1
        %add3A_792 = arith.constant 1 : i32
        %add3A_793 = arith.addi %scan3A_202, %add3A_792 : i32
        %select_n3A_794 = arith.select %and3A_791, %add3A_793, %scan3A_202 : i32
        %jit3A_795 = arith.constant 8 : i32
        %div3A_796 = arith.divsi %add3A_209, %jit3A_795 : i32
        %sign3A_797 = arith.constant 0 : i32
        %sign3A_798 = arith.cmpi sgt, %add3A_209, %sign3A_797 : i32
        %sign3A_799 = arith.extui %sign3A_798 : i1 to i32
        %sign3A_800 = arith.constant 0 : i32
        %sign3A_801 = arith.cmpi slt, %add3A_209, %sign3A_800 : i32
        %sign3A_802 = arith.extui %sign3A_801 : i1 to i32
        %sign3A_803 = arith.subi %sign3A_799, %sign3A_802 : i32
        %sign3A_804 = arith.constant 0 : i32
        %sign3A_805 = arith.cmpi sgt, %jit3A_795, %sign3A_804 : i32
        %sign3A_806 = arith.extui %sign3A_805 : i1 to i32
        %sign3A_807 = arith.constant 0 : i32
        %sign3A_808 = arith.cmpi slt, %jit3A_795, %sign3A_807 : i32
        %sign3A_809 = arith.extui %sign3A_808 : i1 to i32
        %sign3A_810 = arith.subi %sign3A_806, %sign3A_809 : i32
        %ne3A_811 = arith.cmpi ne, %sign3A_803, %sign3A_810 : i32
        %rem3A_812 = arith.remsi %add3A_209, %jit3A_795 : i32
        %ne3A_813 = arith.constant 0 : i32
        %ne3A_814 = arith.cmpi ne, %rem3A_812, %ne3A_813 : i32
        %and3A_815 = arith.andi %ne3A_811, %ne3A_814 : i1
        %sub3A_816 = arith.constant 1 : i32
        %sub3A_817 = arith.subi %div3A_796, %sub3A_816 : i32
        %select_n3A_818 = arith.select %and3A_815, %sub3A_817, %div3A_796 : i32
        %jit3A_819 = arith.constant 8 : i32
        %eq3A_820 = arith.constant 0 : i32
        %eq3A_821 = arith.cmpi eq, %jit3A_819, %eq3A_820 : i32
        %jit3A_822 = arith.constant 1 : i32
        %select_n3A_823 = arith.select %eq3A_821, %jit3A_822, %jit3A_819 : i32
        %rem3A_824 = arith.remsi %add3A_209, %select_n3A_823 : i32
        %ne3A_825 = arith.constant 0 : i32
        %ne3A_826 = arith.cmpi ne, %rem3A_824, %ne3A_825 : i32
        %lt3A_827 = arith.constant 0 : i32
        %lt3A_828 = arith.cmpi slt, %rem3A_824, %lt3A_827 : i32
        %lt3A_829 = arith.constant 0 : i32
        %lt3A_830 = arith.cmpi slt, %select_n3A_823, %lt3A_829 : i32
        %ne3A_831 = arith.xori %lt3A_828, %lt3A_830 : i1
        %and3A_832 = arith.andi %ne3A_831, %ne3A_826 : i1
        %add3A_833 = arith.addi %rem3A_824, %select_n3A_823 : i32
        %select_n3A_834 = arith.select %and3A_832, %add3A_833, %rem3A_824 : i32
        %jit3A_835 = arith.constant 8 : i32
        %div3A_836 = arith.divsi %add3A_218, %jit3A_835 : i32
        %sign3A_837 = arith.constant 0 : i32
        %sign3A_838 = arith.cmpi sgt, %add3A_218, %sign3A_837 : i32
        %sign3A_839 = arith.extui %sign3A_838 : i1 to i32
        %sign3A_840 = arith.constant 0 : i32
        %sign3A_841 = arith.cmpi slt, %add3A_218, %sign3A_840 : i32
        %sign3A_842 = arith.extui %sign3A_841 : i1 to i32
        %sign3A_843 = arith.subi %sign3A_839, %sign3A_842 : i32
        %sign3A_844 = arith.constant 0 : i32
        %sign3A_845 = arith.cmpi sgt, %jit3A_835, %sign3A_844 : i32
        %sign3A_846 = arith.extui %sign3A_845 : i1 to i32
        %sign3A_847 = arith.constant 0 : i32
        %sign3A_848 = arith.cmpi slt, %jit3A_835, %sign3A_847 : i32
        %sign3A_849 = arith.extui %sign3A_848 : i1 to i32
        %sign3A_850 = arith.subi %sign3A_846, %sign3A_849 : i32
        %ne3A_851 = arith.cmpi ne, %sign3A_843, %sign3A_850 : i32
        %rem3A_852 = arith.remsi %add3A_218, %jit3A_835 : i32
        %ne3A_853 = arith.constant 0 : i32
        %ne3A_854 = arith.cmpi ne, %rem3A_852, %ne3A_853 : i32
        %and3A_855 = arith.andi %ne3A_851, %ne3A_854 : i1
        %sub3A_856 = arith.constant 1 : i32
        %sub3A_857 = arith.subi %div3A_836, %sub3A_856 : i32
        %select_n3A_858 = arith.select %and3A_855, %sub3A_857, %div3A_836 : i32
        %jit3A_859 = arith.constant 8 : i32
        %eq3A_860 = arith.constant 0 : i32
        %eq3A_861 = arith.cmpi eq, %jit3A_859, %eq3A_860 : i32
        %jit3A_862 = arith.constant 1 : i32
        %select_n3A_863 = arith.select %eq3A_861, %jit3A_862, %jit3A_859 : i32
        %rem3A_864 = arith.remsi %add3A_218, %select_n3A_863 : i32
        %ne3A_865 = arith.constant 0 : i32
        %ne3A_866 = arith.cmpi ne, %rem3A_864, %ne3A_865 : i32
        %lt3A_867 = arith.constant 0 : i32
        %lt3A_868 = arith.cmpi slt, %rem3A_864, %lt3A_867 : i32
        %lt3A_869 = arith.constant 0 : i32
        %lt3A_870 = arith.cmpi slt, %select_n3A_863, %lt3A_869 : i32
        %ne3A_871 = arith.xori %lt3A_868, %lt3A_870 : i1
        %and3A_872 = arith.andi %ne3A_871, %ne3A_866 : i1
        %add3A_873 = arith.addi %rem3A_864, %select_n3A_863 : i32
        %select_n3A_874 = arith.select %and3A_872, %add3A_873, %rem3A_864 : i32
        %ne3A_875 = arith.cmpi ne, %select_n3A_818, %select_n3A_858 : i32
        %ne3A_876 = arith.cmpi ne, %select_n3A_834, %select_n3A_874 : i32
        %or3A_877 = arith.constant false
        %or3A_878 = arith.ori %or3A_877, %ne3A_875 : i1
        %or3A_879 = arith.ori %or3A_878, %ne3A_876 : i1
        %not3A_880 = arith.constant true
        %not3A_881 = arith.xori %eq3A_206, %not3A_880 : i1
        %and3A_882 = arith.andi %or3A_879, %not3A_881 : i1
        %convert_element_type3A_883 = arith.extui %and3A_882 : i1 to i32
        %cond3A_884 = arith.constant 0 : i32
        %cond3A_885 = arith.cmpi ne, %convert_element_type3A_883, %cond3A_884 : i32
        scf.if %cond3A_885 {
        } else {
        }
        %and3A_886 = arith.constant false
        %and3A_887 = arith.andi %and3A_882, %and3A_886 : i1
        %jit3A_888 = arith.constant 8 : i32
        %div3A_889 = arith.divsi %add3A_209, %jit3A_888 : i32
        %sign3A_890 = arith.constant 0 : i32
        %sign3A_891 = arith.cmpi sgt, %add3A_209, %sign3A_890 : i32
        %sign3A_892 = arith.extui %sign3A_891 : i1 to i32
        %sign3A_893 = arith.constant 0 : i32
        %sign3A_894 = arith.cmpi slt, %add3A_209, %sign3A_893 : i32
        %sign3A_895 = arith.extui %sign3A_894 : i1 to i32
        %sign3A_896 = arith.subi %sign3A_892, %sign3A_895 : i32
        %sign3A_897 = arith.constant 0 : i32
        %sign3A_898 = arith.cmpi sgt, %jit3A_888, %sign3A_897 : i32
        %sign3A_899 = arith.extui %sign3A_898 : i1 to i32
        %sign3A_900 = arith.constant 0 : i32
        %sign3A_901 = arith.cmpi slt, %jit3A_888, %sign3A_900 : i32
        %sign3A_902 = arith.extui %sign3A_901 : i1 to i32
        %sign3A_903 = arith.subi %sign3A_899, %sign3A_902 : i32
        %ne3A_904 = arith.cmpi ne, %sign3A_896, %sign3A_903 : i32
        %rem3A_905 = arith.remsi %add3A_209, %jit3A_888 : i32
        %ne3A_906 = arith.constant 0 : i32
        %ne3A_907 = arith.cmpi ne, %rem3A_905, %ne3A_906 : i32
        %and3A_908 = arith.andi %ne3A_904, %ne3A_907 : i1
        %sub3A_909 = arith.constant 1 : i32
        %sub3A_910 = arith.subi %div3A_889, %sub3A_909 : i32
        %select_n3A_911 = arith.select %and3A_908, %sub3A_910, %div3A_889 : i32
        %jit3A_912 = arith.constant 8 : i32
        %eq3A_913 = arith.constant 0 : i32
        %eq3A_914 = arith.cmpi eq, %jit3A_912, %eq3A_913 : i32
        %jit3A_915 = arith.constant 1 : i32
        %select_n3A_916 = arith.select %eq3A_914, %jit3A_915, %jit3A_912 : i32
        %rem3A_917 = arith.remsi %add3A_209, %select_n3A_916 : i32
        %ne3A_918 = arith.constant 0 : i32
        %ne3A_919 = arith.cmpi ne, %rem3A_917, %ne3A_918 : i32
        %lt3A_920 = arith.constant 0 : i32
        %lt3A_921 = arith.cmpi slt, %rem3A_917, %lt3A_920 : i32
        %lt3A_922 = arith.constant 0 : i32
        %lt3A_923 = arith.cmpi slt, %select_n3A_916, %lt3A_922 : i32
        %ne3A_924 = arith.xori %lt3A_921, %lt3A_923 : i1
        %and3A_925 = arith.andi %ne3A_924, %ne3A_919 : i1
        %add3A_926 = arith.addi %rem3A_917, %select_n3A_916 : i32
        %select_n3A_927 = arith.select %and3A_925, %add3A_926, %rem3A_917 : i32
        %jit3A_928 = arith.constant 8 : i32
        %div3A_929 = arith.divsi %add3A_218, %jit3A_928 : i32
        %sign3A_930 = arith.constant 0 : i32
        %sign3A_931 = arith.cmpi sgt, %add3A_218, %sign3A_930 : i32
        %sign3A_932 = arith.extui %sign3A_931 : i1 to i32
        %sign3A_933 = arith.constant 0 : i32
        %sign3A_934 = arith.cmpi slt, %add3A_218, %sign3A_933 : i32
        %sign3A_935 = arith.extui %sign3A_934 : i1 to i32
        %sign3A_936 = arith.subi %sign3A_932, %sign3A_935 : i32
        %sign3A_937 = arith.constant 0 : i32
        %sign3A_938 = arith.cmpi sgt, %jit3A_928, %sign3A_937 : i32
        %sign3A_939 = arith.extui %sign3A_938 : i1 to i32
        %sign3A_940 = arith.constant 0 : i32
        %sign3A_941 = arith.cmpi slt, %jit3A_928, %sign3A_940 : i32
        %sign3A_942 = arith.extui %sign3A_941 : i1 to i32
        %sign3A_943 = arith.subi %sign3A_939, %sign3A_942 : i32
        %ne3A_944 = arith.cmpi ne, %sign3A_936, %sign3A_943 : i32
        %rem3A_945 = arith.remsi %add3A_218, %jit3A_928 : i32
        %ne3A_946 = arith.constant 0 : i32
        %ne3A_947 = arith.cmpi ne, %rem3A_945, %ne3A_946 : i32
        %and3A_948 = arith.andi %ne3A_944, %ne3A_947 : i1
        %sub3A_949 = arith.constant 1 : i32
        %sub3A_950 = arith.subi %div3A_929, %sub3A_949 : i32
        %select_n3A_951 = arith.select %and3A_948, %sub3A_950, %div3A_929 : i32
        %jit3A_952 = arith.constant 8 : i32
        %eq3A_953 = arith.constant 0 : i32
        %eq3A_954 = arith.cmpi eq, %jit3A_952, %eq3A_953 : i32
        %jit3A_955 = arith.constant 1 : i32
        %select_n3A_956 = arith.select %eq3A_954, %jit3A_955, %jit3A_952 : i32
        %rem3A_957 = arith.remsi %add3A_218, %select_n3A_956 : i32
        %ne3A_958 = arith.constant 0 : i32
        %ne3A_959 = arith.cmpi ne, %rem3A_957, %ne3A_958 : i32
        %lt3A_960 = arith.constant 0 : i32
        %lt3A_961 = arith.cmpi slt, %rem3A_957, %lt3A_960 : i32
        %lt3A_962 = arith.constant 0 : i32
        %lt3A_963 = arith.cmpi slt, %select_n3A_956, %lt3A_962 : i32
        %ne3A_964 = arith.xori %lt3A_961, %lt3A_963 : i1
        %and3A_965 = arith.andi %ne3A_964, %ne3A_959 : i1
        %add3A_966 = arith.addi %rem3A_957, %select_n3A_956 : i32
        %select_n3A_967 = arith.select %and3A_965, %add3A_966, %rem3A_957 : i32
        %ne3A_968 = arith.cmpi ne, %select_n3A_911, %select_n3A_951 : i32
        %ne3A_969 = arith.cmpi ne, %select_n3A_927, %select_n3A_967 : i32
        %or3A_970 = arith.constant false
        %or3A_971 = arith.ori %or3A_970, %ne3A_968 : i1
        %or3A_972 = arith.ori %or3A_971, %ne3A_969 : i1
        %or3A_973 = arith.constant false
        %or3A_974 = arith.ori %or3A_972, %or3A_973 : i1
        %not3A_975 = arith.constant true
        %not3A_976 = arith.xori %eq3A_206, %not3A_975 : i1
        %and3A_977 = arith.andi %or3A_974, %not3A_976 : i1
        %convert_element_type3A_978 = arith.extui %and3A_977 : i1 to i32
        %cond3A_979 = arith.constant 0 : i32
        %cond3A_980 = arith.cmpi ne, %convert_element_type3A_978, %cond3A_979 : i32
        scf.if %cond3A_980 {
          "tpu.trace_start"() <{level = 10 : i32, message = "ep_wait_out"}> : () -> ()
          %rem3A_1083 = arith.constant 2 : i32
          %rem3A_1084 = arith.remui %scan3A_203, %rem3A_1083 : i32
          %jit3A_1085 = arith.constant 8 : i32
          %div3A_1086 = arith.divsi %add3A_218, %jit3A_1085 : i32
          %sign3A_1087 = arith.constant 0 : i32
          %sign3A_1088 = arith.cmpi sgt, %add3A_218, %sign3A_1087 : i32
          %sign3A_1089 = arith.extui %sign3A_1088 : i1 to i32
          %sign3A_1090 = arith.constant 0 : i32
          %sign3A_1091 = arith.cmpi slt, %add3A_218, %sign3A_1090 : i32
          %sign3A_1092 = arith.extui %sign3A_1091 : i1 to i32
          %sign3A_1093 = arith.subi %sign3A_1089, %sign3A_1092 : i32
          %sign3A_1094 = arith.constant 0 : i32
          %sign3A_1095 = arith.cmpi sgt, %jit3A_1085, %sign3A_1094 : i32
          %sign3A_1096 = arith.extui %sign3A_1095 : i1 to i32
          %sign3A_1097 = arith.constant 0 : i32
          %sign3A_1098 = arith.cmpi slt, %jit3A_1085, %sign3A_1097 : i32
          %sign3A_1099 = arith.extui %sign3A_1098 : i1 to i32
          %sign3A_1100 = arith.subi %sign3A_1096, %sign3A_1099 : i32
          %ne3A_1101 = arith.cmpi ne, %sign3A_1093, %sign3A_1100 : i32
          %rem3A_1102 = arith.remsi %add3A_218, %jit3A_1085 : i32
          %ne3A_1103 = arith.constant 0 : i32
          %ne3A_1104 = arith.cmpi ne, %rem3A_1102, %ne3A_1103 : i32
          %and3A_1105 = arith.andi %ne3A_1101, %ne3A_1104 : i1
          %sub3A_1106 = arith.constant 1 : i32
          %sub3A_1107 = arith.subi %div3A_1086, %sub3A_1106 : i32
          %select_n3A_1108 = arith.select %and3A_1105, %sub3A_1107, %div3A_1086 : i32
          %jit3A_1109 = arith.constant 8 : i32
          %eq3A_1110 = arith.constant 0 : i32
          %eq3A_1111 = arith.cmpi eq, %jit3A_1109, %eq3A_1110 : i32
          %jit3A_1112 = arith.constant 1 : i32
          %select_n3A_1113 = arith.select %eq3A_1111, %jit3A_1112, %jit3A_1109 : i32
          %rem3A_1114 = arith.remsi %add3A_218, %select_n3A_1113 : i32
          %ne3A_1115 = arith.constant 0 : i32
          %ne3A_1116 = arith.cmpi ne, %rem3A_1114, %ne3A_1115 : i32
          %lt3A_1117 = arith.constant 0 : i32
          %lt3A_1118 = arith.cmpi slt, %rem3A_1114, %lt3A_1117 : i32
          %lt3A_1119 = arith.constant 0 : i32
          %lt3A_1120 = arith.cmpi slt, %select_n3A_1113, %lt3A_1119 : i32
          %ne3A_1121 = arith.xori %lt3A_1118, %lt3A_1120 : i1
          %and3A_1122 = arith.andi %ne3A_1121, %ne3A_1116 : i1
          %add3A_1123 = arith.addi %rem3A_1114, %select_n3A_1113 : i32
          %select_n3A_1124 = arith.select %and3A_1122, %add3A_1123, %rem3A_1114 : i32
          %mul3A_1125 = arith.constant 1 : i32
          %mul3A_1126 = arith.muli %mul3A_1125, %select_n3A_1108 : i32
          %mul3A_1127 = arith.constant 128 : i32
          %mul3A_1128 = arith.muli %mul3A_1127, %select_n3A_1124 : i32
          %dma_wait3A_1129 = arith.constant 0 : i32
          %dma_wait3A_1130 = arith.constant 0 : i32
          %dma_wait3A_1131 = arith.constant 0 : i32
          %dma_wait3A_1132 = tpu.memref_slice %run_scoped3A_8[%rem3A_1084, %dma_wait3A_1129, %dma_wait3A_1130, %dma_wait3A_1131] : memref<2x1x128x64xf32, #tpu.memory_space<vmem>> -> memref<1x1x128x64xf32, #tpu.memory_space<vmem>>
          %dma_wait3A_1133 = tpu.memref_squeeze %dma_wait3A_1132 : memref<1x1x128x64xf32, #tpu.memory_space<vmem>> -> memref<1x128x64xf32, #tpu.memory_space<vmem>>
          %dma_wait3A_1134 = arith.constant 0 : i32
          %dma_wait3A_1135 = tpu.memref_slice %arg4[%mul3A_1126, %mul3A_1128, %dma_wait3A_1134] : memref<200x1024x64xf32, #tpu.memory_space<hbm>> -> memref<1x128x64xf32, #tpu.memory_space<hbm>>
          %dma_wait3A_1136 = tpu.memref_slice %run_scoped3A_9[%rem3A_1084] : memref<2x!tpu.dma_semaphore, #tpu.memory_space<semaphore_mem>> -> memref<1x!tpu.dma_semaphore, #tpu.memory_space<semaphore_mem>>
          %dma_wait3A_1137 = tpu.memref_squeeze %dma_wait3A_1136 : memref<1x!tpu.dma_semaphore, #tpu.memory_space<semaphore_mem>> -> memref<!tpu.dma_semaphore, #tpu.memory_space<semaphore_mem>>
          %dma_wait3A_1138 = arith.constant 0 : i32
          %dma_wait3A_1139 = tpu.memref_slice %arg4[%mul3A_1126, %mul3A_1128, %dma_wait3A_1138] : memref<200x1024x64xf32, #tpu.memory_space<hbm>> -> memref<1x128x64xf32, #tpu.memory_space<hbm>>
          %dma_wait3A_1140 = arith.constant 0 : i32
          %dma_wait3A_1141 = arith.constant 0 : i32
          %dma_wait3A_1142 = arith.constant 0 : i32
          %dma_wait3A_1143 = tpu.memref_slice %run_scoped3A_8[%rem3A_1084, %dma_wait3A_1140, %dma_wait3A_1141, %dma_wait3A_1142] : memref<2x1x128x64xf32, #tpu.memory_space<vmem>> -> memref<1x1x128x64xf32, #tpu.memory_space<vmem>>
          %dma_wait3A_1144 = tpu.memref_squeeze %dma_wait3A_1143 : memref<1x1x128x64xf32, #tpu.memory_space<vmem>> -> memref<1x128x64xf32, #tpu.memory_space<vmem>>
          tpu.wait_dma2 semaphore(%dma_wait3A_1137 : memref<!tpu.dma_semaphore, #tpu.memory_space<semaphore_mem>>) src(%dma_wait3A_1144 : memref<1x128x64xf32, #tpu.memory_space<vmem>>) dst(%dma_wait3A_1139 : memref<1x128x64xf32, #tpu.memory_space<hbm>>)
          "tpu.trace_stop"() : () -> ()
        } else {
        }
        %and3A_981 = arith.constant true
        %and3A_982 = arith.andi %and3A_977, %and3A_981 : i1
        %add3A_983 = arith.constant 1 : i32
        %add3A_984 = arith.addi %scan3A_203, %add3A_983 : i32
        %select_n3A_985 = arith.select %and3A_982, %add3A_984, %scan3A_203 : i32
        %jit3A_986 = arith.constant 8 : i32
        %div3A_987 = arith.divsi %add3A_209, %jit3A_986 : i32
        %sign3A_988 = arith.constant 0 : i32
        %sign3A_989 = arith.cmpi sgt, %add3A_209, %sign3A_988 : i32
        %sign3A_990 = arith.extui %sign3A_989 : i1 to i32
        %sign3A_991 = arith.constant 0 : i32
        %sign3A_992 = arith.cmpi slt, %add3A_209, %sign3A_991 : i32
        %sign3A_993 = arith.extui %sign3A_992 : i1 to i32
        %sign3A_994 = arith.subi %sign3A_990, %sign3A_993 : i32
        %sign3A_995 = arith.constant 0 : i32
        %sign3A_996 = arith.cmpi sgt, %jit3A_986, %sign3A_995 : i32
        %sign3A_997 = arith.extui %sign3A_996 : i1 to i32
        %sign3A_998 = arith.constant 0 : i32
        %sign3A_999 = arith.cmpi slt, %jit3A_986, %sign3A_998 : i32
        %sign3A_1000 = arith.extui %sign3A_999 : i1 to i32
        %sign3A_1001 = arith.subi %sign3A_997, %sign3A_1000 : i32
        %ne3A_1002 = arith.cmpi ne, %sign3A_994, %sign3A_1001 : i32
        %rem3A_1003 = arith.remsi %add3A_209, %jit3A_986 : i32
        %ne3A_1004 = arith.constant 0 : i32
        %ne3A_1005 = arith.cmpi ne, %rem3A_1003, %ne3A_1004 : i32
        %and3A_1006 = arith.andi %ne3A_1002, %ne3A_1005 : i1
        %sub3A_1007 = arith.constant 1 : i32
        %sub3A_1008 = arith.subi %div3A_987, %sub3A_1007 : i32
        %select_n3A_1009 = arith.select %and3A_1006, %sub3A_1008, %div3A_987 : i32
        %jit3A_1010 = arith.constant 8 : i32
        %eq3A_1011 = arith.constant 0 : i32
        %eq3A_1012 = arith.cmpi eq, %jit3A_1010, %eq3A_1011 : i32
        %jit3A_1013 = arith.constant 1 : i32
        %select_n3A_1014 = arith.select %eq3A_1012, %jit3A_1013, %jit3A_1010 : i32
        %rem3A_1015 = arith.remsi %add3A_209, %select_n3A_1014 : i32
        %ne3A_1016 = arith.constant 0 : i32
        %ne3A_1017 = arith.cmpi ne, %rem3A_1015, %ne3A_1016 : i32
        %lt3A_1018 = arith.constant 0 : i32
        %lt3A_1019 = arith.cmpi slt, %rem3A_1015, %lt3A_1018 : i32
        %lt3A_1020 = arith.constant 0 : i32
        %lt3A_1021 = arith.cmpi slt, %select_n3A_1014, %lt3A_1020 : i32
        %ne3A_1022 = arith.xori %lt3A_1019, %lt3A_1021 : i1
        %and3A_1023 = arith.andi %ne3A_1022, %ne3A_1017 : i1
        %add3A_1024 = arith.addi %rem3A_1015, %select_n3A_1014 : i32
        %select_n3A_1025 = arith.select %and3A_1023, %add3A_1024, %rem3A_1015 : i32
        %jit3A_1026 = arith.constant 8 : i32
        %div3A_1027 = arith.divsi %add3A_227, %jit3A_1026 : i32
        %sign3A_1028 = arith.constant 0 : i32
        %sign3A_1029 = arith.cmpi sgt, %add3A_227, %sign3A_1028 : i32
        %sign3A_1030 = arith.extui %sign3A_1029 : i1 to i32
        %sign3A_1031 = arith.constant 0 : i32
        %sign3A_1032 = arith.cmpi slt, %add3A_227, %sign3A_1031 : i32
        %sign3A_1033 = arith.extui %sign3A_1032 : i1 to i32
        %sign3A_1034 = arith.subi %sign3A_1030, %sign3A_1033 : i32
        %sign3A_1035 = arith.constant 0 : i32
        %sign3A_1036 = arith.cmpi sgt, %jit3A_1026, %sign3A_1035 : i32
        %sign3A_1037 = arith.extui %sign3A_1036 : i1 to i32
        %sign3A_1038 = arith.constant 0 : i32
        %sign3A_1039 = arith.cmpi slt, %jit3A_1026, %sign3A_1038 : i32
        %sign3A_1040 = arith.extui %sign3A_1039 : i1 to i32
        %sign3A_1041 = arith.subi %sign3A_1037, %sign3A_1040 : i32
        %ne3A_1042 = arith.cmpi ne, %sign3A_1034, %sign3A_1041 : i32
        %rem3A_1043 = arith.remsi %add3A_227, %jit3A_1026 : i32
        %ne3A_1044 = arith.constant 0 : i32
        %ne3A_1045 = arith.cmpi ne, %rem3A_1043, %ne3A_1044 : i32
        %and3A_1046 = arith.andi %ne3A_1042, %ne3A_1045 : i1
        %sub3A_1047 = arith.constant 1 : i32
        %sub3A_1048 = arith.subi %div3A_1027, %sub3A_1047 : i32
        %select_n3A_1049 = arith.select %and3A_1046, %sub3A_1048, %div3A_1027 : i32
        %jit3A_1050 = arith.constant 8 : i32
        %eq3A_1051 = arith.constant 0 : i32
        %eq3A_1052 = arith.cmpi eq, %jit3A_1050, %eq3A_1051 : i32
        %jit3A_1053 = arith.constant 1 : i32
        %select_n3A_1054 = arith.select %eq3A_1052, %jit3A_1053, %jit3A_1050 : i32
        %rem3A_1055 = arith.remsi %add3A_227, %select_n3A_1054 : i32
        %ne3A_1056 = arith.constant 0 : i32
        %ne3A_1057 = arith.cmpi ne, %rem3A_1055, %ne3A_1056 : i32
        %lt3A_1058 = arith.constant 0 : i32
        %lt3A_1059 = arith.cmpi slt, %rem3A_1055, %lt3A_1058 : i32
        %lt3A_1060 = arith.constant 0 : i32
        %lt3A_1061 = arith.cmpi slt, %select_n3A_1054, %lt3A_1060 : i32
        %ne3A_1062 = arith.xori %lt3A_1059, %lt3A_1061 : i1
        %and3A_1063 = arith.andi %ne3A_1062, %ne3A_1057 : i1
        %add3A_1064 = arith.addi %rem3A_1055, %select_n3A_1054 : i32
        %select_n3A_1065 = arith.select %and3A_1063, %add3A_1064, %rem3A_1055 : i32
        %ne3A_1066 = arith.cmpi ne, %select_n3A_1009, %select_n3A_1049 : i32
        %ne3A_1067 = arith.cmpi ne, %select_n3A_1025, %select_n3A_1065 : i32
        %or3A_1068 = arith.constant false
        %or3A_1069 = arith.ori %or3A_1068, %ne3A_1066 : i1
        %or3A_1070 = arith.ori %or3A_1069, %ne3A_1067 : i1
        %or3A_1071 = arith.ori %or3A_1070, %eq3A_208 : i1
        %add3A_1072 = arith.constant 1 : i32
        %add3A_1073 = arith.addi %scan3A_201, %add3A_1072 : i32
        %select_n3A_1074 = arith.select %or3A_1071, %add3A_1073, %scan3A_201 : i32
        %add3A_1075 = arith.constant 1 : i32
        %add3A_1076 = arith.addi %scan3A_204, %add3A_1075 : i32
        %select_n3A_1077 = arith.constant true
        %select_n3A_1078 = arith.select %select_n3A_1077, %add3A_1076, %scan3A_204 : i32
        %eq3A_1079 = arith.constant 50 : i32
        %eq3A_1080 = arith.cmpi eq, %select_n3A_1078, %eq3A_1079 : i32
        %select_n3A_1081 = arith.constant 0 : i32
        %select_n3A_1082 = arith.select %eq3A_1080, %select_n3A_1081, %select_n3A_1078 : i32
        scf.yield %select_n3A_329, %select_n3A_1074, %select_n3A_794, %select_n3A_985, %select_n3A_1082 : i32, i32, i32, i32, i32
      }
      %scan3A_101 = arith.constant 50 : i32
      %sub3A_102 = arith.constant 1 : i32
      %sub3A_103 = arith.subi %scan3A_100#4, %sub3A_102 : i32
      %select_n3A_104 = arith.constant true
      %select_n3A_105 = arith.select %select_n3A_104, %sub3A_103, %scan3A_100#4 : i32
      %eq3A_106 = arith.constant -1 : i32
      %eq3A_107 = arith.cmpi eq, %select_n3A_105, %eq3A_106 : i32
      %select_n3A_108 = arith.constant 49 : i32
      %select_n3A_109 = arith.select %eq3A_107, %select_n3A_108, %select_n3A_105 : i32
      %add3A_110 = arith.addi %select_n3A_109, %mul3A_6 : i32
      %sub3A_111 = arith.constant 1 : i32
      %sub3A_112 = arith.subi %select_n3A_109, %sub3A_111 : i32
      %select_n3A_113 = arith.constant true
      %select_n3A_114 = arith.select %select_n3A_113, %sub3A_112, %select_n3A_109 : i32
      %eq3A_115 = arith.constant -1 : i32
      %eq3A_116 = arith.cmpi eq, %select_n3A_114, %eq3A_115 : i32
      %select_n3A_117 = arith.constant 49 : i32
      %select_n3A_118 = arith.select %eq3A_116, %select_n3A_117, %select_n3A_114 : i32
      %add3A_119 = arith.addi %select_n3A_118, %mul3A_6 : i32
      %add3A_120 = arith.constant 1 : i32
      %add3A_121 = arith.addi %select_n3A_109, %add3A_120 : i32
      %select_n3A_122 = arith.constant true
      %select_n3A_123 = arith.select %select_n3A_122, %add3A_121, %select_n3A_109 : i32
      %eq3A_124 = arith.constant 50 : i32
      %eq3A_125 = arith.cmpi eq, %select_n3A_123, %eq3A_124 : i32
      %select_n3A_126 = arith.constant 0 : i32
      %select_n3A_127 = arith.select %eq3A_125, %select_n3A_126, %select_n3A_123 : i32
      %add3A_128 = arith.addi %select_n3A_127, %mul3A_6 : i32
      %add3A_129 = arith.constant 1 : i32
      %add3A_130 = arith.addi %select_n3A_127, %add3A_129 : i32
      %select_n3A_131 = arith.constant true
      %select_n3A_132 = arith.select %select_n3A_131, %add3A_130, %select_n3A_127 : i32
      %eq3A_133 = arith.constant 50 : i32
      %eq3A_134 = arith.cmpi eq, %select_n3A_132, %eq3A_133 : i32
      %select_n3A_135 = arith.constant 0 : i32
      %select_n3A_136 = arith.select %eq3A_134, %select_n3A_135, %select_n3A_132 : i32
      %add3A_137 = arith.addi %select_n3A_136, %mul3A_6 : i32
      "tpu.trace_start"() <{level = 10 : i32, message = "ep_finalize"}> : () -> ()
      %rem3A_138 = arith.constant 2 : i32
      %rem3A_139 = arith.remui %scan3A_100#3, %rem3A_138 : i32
      %jit3A_140 = arith.constant 8 : i32
      %div3A_141 = arith.divsi %add3A_110, %jit3A_140 : i32
      %sign3A_142 = arith.constant 0 : i32
      %sign3A_143 = arith.cmpi sgt, %add3A_110, %sign3A_142 : i32
      %sign3A_144 = arith.extui %sign3A_143 : i1 to i32
      %sign3A_145 = arith.constant 0 : i32
      %sign3A_146 = arith.cmpi slt, %add3A_110, %sign3A_145 : i32
      %sign3A_147 = arith.extui %sign3A_146 : i1 to i32
      %sign3A_148 = arith.subi %sign3A_144, %sign3A_147 : i32
      %sign3A_149 = arith.constant 0 : i32
      %sign3A_150 = arith.cmpi sgt, %jit3A_140, %sign3A_149 : i32
      %sign3A_151 = arith.extui %sign3A_150 : i1 to i32
      %sign3A_152 = arith.constant 0 : i32
      %sign3A_153 = arith.cmpi slt, %jit3A_140, %sign3A_152 : i32
      %sign3A_154 = arith.extui %sign3A_153 : i1 to i32
      %sign3A_155 = arith.subi %sign3A_151, %sign3A_154 : i32
      %ne3A_156 = arith.cmpi ne, %sign3A_148, %sign3A_155 : i32
      %rem3A_157 = arith.remsi %add3A_110, %jit3A_140 : i32
      %ne3A_158 = arith.constant 0 : i32
      %ne3A_159 = arith.cmpi ne, %rem3A_157, %ne3A_158 : i32
      %and3A_160 = arith.andi %ne3A_156, %ne3A_159 : i1
      %sub3A_161 = arith.constant 1 : i32
      %sub3A_162 = arith.subi %div3A_141, %sub3A_161 : i32
      %select_n3A_163 = arith.select %and3A_160, %sub3A_162, %div3A_141 : i32
      %jit3A_164 = arith.constant 8 : i32
      %eq3A_165 = arith.constant 0 : i32
      %eq3A_166 = arith.cmpi eq, %jit3A_164, %eq3A_165 : i32
      %jit3A_167 = arith.constant 1 : i32
      %select_n3A_168 = arith.select %eq3A_166, %jit3A_167, %jit3A_164 : i32
      %rem3A_169 = arith.remsi %add3A_110, %select_n3A_168 : i32
      %ne3A_170 = arith.constant 0 : i32
      %ne3A_171 = arith.cmpi ne, %rem3A_169, %ne3A_170 : i32
      %lt3A_172 = arith.constant 0 : i32
      %lt3A_173 = arith.cmpi slt, %rem3A_169, %lt3A_172 : i32
      %lt3A_174 = arith.constant 0 : i32
      %lt3A_175 = arith.cmpi slt, %select_n3A_168, %lt3A_174 : i32
      %ne3A_176 = arith.xori %lt3A_173, %lt3A_175 : i1
      %and3A_177 = arith.andi %ne3A_176, %ne3A_171 : i1
      %add3A_178 = arith.addi %rem3A_169, %select_n3A_168 : i32
      %select_n3A_179 = arith.select %and3A_177, %add3A_178, %rem3A_169 : i32
      %mul3A_180 = arith.constant 1 : i32
      %mul3A_181 = arith.muli %mul3A_180, %select_n3A_163 : i32
      %mul3A_182 = arith.constant 128 : i32
      %mul3A_183 = arith.muli %mul3A_182, %select_n3A_179 : i32
      %dma_wait3A = arith.constant 0 : i32
      %dma_wait3A_184 = arith.constant 0 : i32
      %dma_wait3A_185 = arith.constant 0 : i32
      %dma_wait3A_186 = tpu.memref_slice %run_scoped3A_8[%rem3A_139, %dma_wait3A, %dma_wait3A_184, %dma_wait3A_185] : memref<2x1x128x64xf32, #tpu.memory_space<vmem>> -> memref<1x1x128x64xf32, #tpu.memory_space<vmem>>
      %dma_wait3A_187 = tpu.memref_squeeze %dma_wait3A_186 : memref<1x1x128x64xf32, #tpu.memory_space<vmem>> -> memref<1x128x64xf32, #tpu.memory_space<vmem>>
      %dma_wait3A_188 = arith.constant 0 : i32
      %dma_wait3A_189 = tpu.memref_slice %arg4[%mul3A_181, %mul3A_183, %dma_wait3A_188] : memref<200x1024x64xf32, #tpu.memory_space<hbm>> -> memref<1x128x64xf32, #tpu.memory_space<hbm>>
      %dma_wait3A_190 = tpu.memref_slice %run_scoped3A_9[%rem3A_139] : memref<2x!tpu.dma_semaphore, #tpu.memory_space<semaphore_mem>> -> memref<1x!tpu.dma_semaphore, #tpu.memory_space<semaphore_mem>>
      %dma_wait3A_191 = tpu.memref_squeeze %dma_wait3A_190 : memref<1x!tpu.dma_semaphore, #tpu.memory_space<semaphore_mem>> -> memref<!tpu.dma_semaphore, #tpu.memory_space<semaphore_mem>>
      %dma_wait3A_192 = arith.constant 0 : i32
      %dma_wait3A_193 = tpu.memref_slice %arg4[%mul3A_181, %mul3A_183, %dma_wait3A_192] : memref<200x1024x64xf32, #tpu.memory_space<hbm>> -> memref<1x128x64xf32, #tpu.memory_space<hbm>>
      %dma_wait3A_194 = arith.constant 0 : i32
      %dma_wait3A_195 = arith.constant 0 : i32
      %dma_wait3A_196 = arith.constant 0 : i32
      %dma_wait3A_197 = tpu.memref_slice %run_scoped3A_8[%rem3A_139, %dma_wait3A_194, %dma_wait3A_195, %dma_wait3A_196] : memref<2x1x128x64xf32, #tpu.memory_space<vmem>> -> memref<1x1x128x64xf32, #tpu.memory_space<vmem>>
      %dma_wait3A_198 = tpu.memref_squeeze %dma_wait3A_197 : memref<1x1x128x64xf32, #tpu.memory_space<vmem>> -> memref<1x128x64xf32, #tpu.memory_space<vmem>>
      tpu.wait_dma2 semaphore(%dma_wait3A_191 : memref<!tpu.dma_semaphore, #tpu.memory_space<semaphore_mem>>) src(%dma_wait3A_198 : memref<1x128x64xf32, #tpu.memory_space<vmem>>) dst(%dma_wait3A_193 : memref<1x128x64xf32, #tpu.memory_space<hbm>>)
      "tpu.trace_stop"() : () -> ()
      tpu.yield
    }) : () -> ()
    return
  }
}

module attributes {stable_mosaic.version = 14 : i64} {
  func.func @body(%arg0: i32, %arg1: memref<1638400xf32, #tpu.memory_space<vmem>>, %arg2: memref<25x64x1024xf32, #tpu.memory_space<vmem>>, %arg3: memref<2x64x1024xf32, #tpu.memory_space<vmem>>, %arg4: memref<2x64x1024xf32, #tpu.memory_space<vmem>>, %arg5: memref<512x128xf32, #tpu.memory_space<vmem>>) attributes {dimension_semantics = [#tpu.dimension_semantics<arbitrary>], iteration_bounds = array<i64: 8>, scalar_prefetch = 0 : i64, scratch_operands = 1 : i64, tpu.core_type = #tpu.core_type<tc>, window_params = [{transform_indices = @transform_0, window_bounds = array<i64: 1638400>}, {transform_indices = @transform_1, window_bounds = array<i64: 25, 64, 1024>}, {pipeline_mode = #tpu.pipeline_mode<synchronous>, transform_indices = @transform_2, window_bounds = array<i64: 2, 64, 1024>}, {pipeline_mode = #tpu.pipeline_mode<synchronous>, transform_indices = @transform_3, window_bounds = array<i64: 2, 64, 1024>}]} {
    %get3A = arith.constant 0 : index
    %get3A_0 = vector.load %arg1[%get3A] : memref<1638400xf32, #tpu.memory_space<vmem>>, vector<1638400xf32>
    %reshape3A = vector.shape_cast %get3A_0 : vector<1638400xf32> to vector<12800x128xf32>
    %transpose3A = tpu.transpose %reshape3A, [1, 0] : vector<12800x128xf32> -> vector<128x12800xf32>
    %slice3A = vector.extract_strided_slice %transpose3A {offsets = [0, 0], sizes = [64, 512], strides = [1, 1]} : vector<128x12800xf32> to vector<64x512xf32>
    %swap3A = arith.constant 0 : index
    %swap3A_1 = arith.constant 0 : index
    %swap3A_2 = arith.constant 0 : index
    %swap3A_3 = vector.load %arg2[%swap3A, %swap3A_1, %swap3A_2] : memref<25x64x1024xf32, #tpu.memory_space<vmem>>, vector<1x64x512xf32>
    %swap3A_4 = vector.shape_cast %swap3A_3 : vector<1x64x512xf32> to vector<64x512xf32>
    %swap3A_5 = vector.shape_cast %slice3A : vector<64x512xf32> to vector<1x64x512xf32>
    tpu.vector_store %arg2[%swap3A, %swap3A_1, %swap3A_2], %swap3A_5 {strides = array<i32>} : memref<25x64x1024xf32, #tpu.memory_space<vmem>>, vector<1x64x512xf32>,
    %slice3A_6 = vector.extract_strided_slice %transpose3A {offsets = [64, 0], sizes = [64, 512], strides = [1, 1]} : vector<128x12800xf32> to vector<64x512xf32>
    %swap3A_7 = arith.constant 0 : index
    %swap3A_8 = arith.constant 0 : index
    %swap3A_9 = arith.constant 512 : index
    %swap3A_10 = vector.load %arg2[%swap3A_7, %swap3A_8, %swap3A_9] : memref<25x64x1024xf32, #tpu.memory_space<vmem>>, vector<1x64x512xf32>
    %swap3A_11 = vector.shape_cast %swap3A_10 : vector<1x64x512xf32> to vector<64x512xf32>
    %swap3A_12 = vector.shape_cast %slice3A_6 : vector<64x512xf32> to vector<1x64x512xf32>
    tpu.vector_store %arg2[%swap3A_7, %swap3A_8, %swap3A_9], %swap3A_12 {strides = array<i32>} : memref<25x64x1024xf32, #tpu.memory_space<vmem>>, vector<1x64x512xf32>,
    %slice3A_13 = vector.extract_strided_slice %transpose3A {offsets = [0, 512], sizes = [64, 512], strides = [1, 1]} : vector<128x12800xf32> to vector<64x512xf32>
    %swap3A_14 = arith.constant 1 : index
    %swap3A_15 = arith.constant 0 : index
    %swap3A_16 = arith.constant 0 : index
    %swap3A_17 = vector.load %arg2[%swap3A_14, %swap3A_15, %swap3A_16] : memref<25x64x1024xf32, #tpu.memory_space<vmem>>, vector<1x64x512xf32>
    %swap3A_18 = vector.shape_cast %swap3A_17 : vector<1x64x512xf32> to vector<64x512xf32>
    %swap3A_19 = vector.shape_cast %slice3A_13 : vector<64x512xf32> to vector<1x64x512xf32>
    tpu.vector_store %arg2[%swap3A_14, %swap3A_15, %swap3A_16], %swap3A_19 {strides = array<i32>} : memref<25x64x1024xf32, #tpu.memory_space<vmem>>, vector<1x64x512xf32>,
    %slice3A_20 = vector.extract_strided_slice %transpose3A {offsets = [64, 512], sizes = [64, 512], strides = [1, 1]} : vector<128x12800xf32> to vector<64x512xf32>
    %swap3A_21 = arith.constant 1 : index
    %swap3A_22 = arith.constant 0 : index
    %swap3A_23 = arith.constant 512 : index
    %swap3A_24 = vector.load %arg2[%swap3A_21, %swap3A_22, %swap3A_23] : memref<25x64x1024xf32, #tpu.memory_space<vmem>>, vector<1x64x512xf32>
    %swap3A_25 = vector.shape_cast %swap3A_24 : vector<1x64x512xf32> to vector<64x512xf32>
    %swap3A_26 = vector.shape_cast %slice3A_20 : vector<64x512xf32> to vector<1x64x512xf32>
    tpu.vector_store %arg2[%swap3A_21, %swap3A_22, %swap3A_23], %swap3A_26 {strides = array<i32>} : memref<25x64x1024xf32, #tpu.memory_space<vmem>>, vector<1x64x512xf32>,
    %slice3A_27 = vector.extract_strided_slice %transpose3A {offsets = [0, 1024], sizes = [64, 512], strides = [1, 1]} : vector<128x12800xf32> to vector<64x512xf32>
    %swap3A_28 = arith.constant 2 : index
    %swap3A_29 = arith.constant 0 : index
    %swap3A_30 = arith.constant 0 : index
    %swap3A_31 = vector.load %arg2[%swap3A_28, %swap3A_29, %swap3A_30] : memref<25x64x1024xf32, #tpu.memory_space<vmem>>, vector<1x64x512xf32>
    %swap3A_32 = vector.shape_cast %swap3A_31 : vector<1x64x512xf32> to vector<64x512xf32>
    %swap3A_33 = vector.shape_cast %slice3A_27 : vector<64x512xf32> to vector<1x64x512xf32>
    tpu.vector_store %arg2[%swap3A_28, %swap3A_29, %swap3A_30], %swap3A_33 {strides = array<i32>} : memref<25x64x1024xf32, #tpu.memory_space<vmem>>, vector<1x64x512xf32>,
    %slice3A_34 = vector.extract_strided_slice %transpose3A {offsets = [64, 1024], sizes = [64, 512], strides = [1, 1]} : vector<128x12800xf32> to vector<64x512xf32>
    %swap3A_35 = arith.constant 2 : index
    %swap3A_36 = arith.constant 0 : index
    %swap3A_37 = arith.constant 512 : index
    %swap3A_38 = vector.load %arg2[%swap3A_35, %swap3A_36, %swap3A_37] : memref<25x64x1024xf32, #tpu.memory_space<vmem>>, vector<1x64x512xf32>
    %swap3A_39 = vector.shape_cast %swap3A_38 : vector<1x64x512xf32> to vector<64x512xf32>
    %swap3A_40 = vector.shape_cast %slice3A_34 : vector<64x512xf32> to vector<1x64x512xf32>
    tpu.vector_store %arg2[%swap3A_35, %swap3A_36, %swap3A_37], %swap3A_40 {strides = array<i32>} : memref<25x64x1024xf32, #tpu.memory_space<vmem>>, vector<1x64x512xf32>,
    %slice3A_41 = vector.extract_strided_slice %transpose3A {offsets = [0, 1536], sizes = [64, 512], strides = [1, 1]} : vector<128x12800xf32> to vector<64x512xf32>
    %swap3A_42 = arith.constant 3 : index
    %swap3A_43 = arith.constant 0 : index
    %swap3A_44 = arith.constant 0 : index
    %swap3A_45 = vector.load %arg2[%swap3A_42, %swap3A_43, %swap3A_44] : memref<25x64x1024xf32, #tpu.memory_space<vmem>>, vector<1x64x512xf32>
    %swap3A_46 = vector.shape_cast %swap3A_45 : vector<1x64x512xf32> to vector<64x512xf32>
    %swap3A_47 = vector.shape_cast %slice3A_41 : vector<64x512xf32> to vector<1x64x512xf32>
    tpu.vector_store %arg2[%swap3A_42, %swap3A_43, %swap3A_44], %swap3A_47 {strides = array<i32>} : memref<25x64x1024xf32, #tpu.memory_space<vmem>>, vector<1x64x512xf32>,
    %slice3A_48 = vector.extract_strided_slice %transpose3A {offsets = [64, 1536], sizes = [64, 512], strides = [1, 1]} : vector<128x12800xf32> to vector<64x512xf32>
    %swap3A_49 = arith.constant 3 : index
    %swap3A_50 = arith.constant 0 : index
    %swap3A_51 = arith.constant 512 : index
    %swap3A_52 = vector.load %arg2[%swap3A_49, %swap3A_50, %swap3A_51] : memref<25x64x1024xf32, #tpu.memory_space<vmem>>, vector<1x64x512xf32>
    %swap3A_53 = vector.shape_cast %swap3A_52 : vector<1x64x512xf32> to vector<64x512xf32>
    %swap3A_54 = vector.shape_cast %slice3A_48 : vector<64x512xf32> to vector<1x64x512xf32>
    tpu.vector_store %arg2[%swap3A_49, %swap3A_50, %swap3A_51], %swap3A_54 {strides = array<i32>} : memref<25x64x1024xf32, #tpu.memory_space<vmem>>, vector<1x64x512xf32>,
    %slice3A_55 = vector.extract_strided_slice %transpose3A {offsets = [0, 2048], sizes = [64, 512], strides = [1, 1]} : vector<128x12800xf32> to vector<64x512xf32>
    %swap3A_56 = arith.constant 4 : index
    %swap3A_57 = arith.constant 0 : index
    %swap3A_58 = arith.constant 0 : index
    %swap3A_59 = vector.load %arg2[%swap3A_56, %swap3A_57, %swap3A_58] : memref<25x64x1024xf32, #tpu.memory_space<vmem>>, vector<1x64x512xf32>
    %swap3A_60 = vector.shape_cast %swap3A_59 : vector<1x64x512xf32> to vector<64x512xf32>
    %swap3A_61 = vector.shape_cast %slice3A_55 : vector<64x512xf32> to vector<1x64x512xf32>
    tpu.vector_store %arg2[%swap3A_56, %swap3A_57, %swap3A_58], %swap3A_61 {strides = array<i32>} : memref<25x64x1024xf32, #tpu.memory_space<vmem>>, vector<1x64x512xf32>,
    %slice3A_62 = vector.extract_strided_slice %transpose3A {offsets = [64, 2048], sizes = [64, 512], strides = [1, 1]} : vector<128x12800xf32> to vector<64x512xf32>
    %swap3A_63 = arith.constant 4 : index
    %swap3A_64 = arith.constant 0 : index
    %swap3A_65 = arith.constant 512 : index
    %swap3A_66 = vector.load %arg2[%swap3A_63, %swap3A_64, %swap3A_65] : memref<25x64x1024xf32, #tpu.memory_space<vmem>>, vector<1x64x512xf32>
    %swap3A_67 = vector.shape_cast %swap3A_66 : vector<1x64x512xf32> to vector<64x512xf32>
    %swap3A_68 = vector.shape_cast %slice3A_62 : vector<64x512xf32> to vector<1x64x512xf32>
    tpu.vector_store %arg2[%swap3A_63, %swap3A_64, %swap3A_65], %swap3A_68 {strides = array<i32>} : memref<25x64x1024xf32, #tpu.memory_space<vmem>>, vector<1x64x512xf32>,
    %slice3A_69 = vector.extract_strided_slice %transpose3A {offsets = [0, 2560], sizes = [64, 512], strides = [1, 1]} : vector<128x12800xf32> to vector<64x512xf32>
    %swap3A_70 = arith.constant 5 : index
    %swap3A_71 = arith.constant 0 : index
    %swap3A_72 = arith.constant 0 : index
    %swap3A_73 = vector.load %arg2[%swap3A_70, %swap3A_71, %swap3A_72] : memref<25x64x1024xf32, #tpu.memory_space<vmem>>, vector<1x64x512xf32>
    %swap3A_74 = vector.shape_cast %swap3A_73 : vector<1x64x512xf32> to vector<64x512xf32>
    %swap3A_75 = vector.shape_cast %slice3A_69 : vector<64x512xf32> to vector<1x64x512xf32>
    tpu.vector_store %arg2[%swap3A_70, %swap3A_71, %swap3A_72], %swap3A_75 {strides = array<i32>} : memref<25x64x1024xf32, #tpu.memory_space<vmem>>, vector<1x64x512xf32>,
    %slice3A_76 = vector.extract_strided_slice %transpose3A {offsets = [64, 2560], sizes = [64, 512], strides = [1, 1]} : vector<128x12800xf32> to vector<64x512xf32>
    %swap3A_77 = arith.constant 5 : index
    %swap3A_78 = arith.constant 0 : index
    %swap3A_79 = arith.constant 512 : index
    %swap3A_80 = vector.load %arg2[%swap3A_77, %swap3A_78, %swap3A_79] : memref<25x64x1024xf32, #tpu.memory_space<vmem>>, vector<1x64x512xf32>
    %swap3A_81 = vector.shape_cast %swap3A_80 : vector<1x64x512xf32> to vector<64x512xf32>
    %swap3A_82 = vector.shape_cast %slice3A_76 : vector<64x512xf32> to vector<1x64x512xf32>
    tpu.vector_store %arg2[%swap3A_77, %swap3A_78, %swap3A_79], %swap3A_82 {strides = array<i32>} : memref<25x64x1024xf32, #tpu.memory_space<vmem>>, vector<1x64x512xf32>,
    %slice3A_83 = vector.extract_strided_slice %transpose3A {offsets = [0, 3072], sizes = [64, 512], strides = [1, 1]} : vector<128x12800xf32> to vector<64x512xf32>
    %swap3A_84 = arith.constant 6 : index
    %swap3A_85 = arith.constant 0 : index
    %swap3A_86 = arith.constant 0 : index
    %swap3A_87 = vector.load %arg2[%swap3A_84, %swap3A_85, %swap3A_86] : memref<25x64x1024xf32, #tpu.memory_space<vmem>>, vector<1x64x512xf32>
    %swap3A_88 = vector.shape_cast %swap3A_87 : vector<1x64x512xf32> to vector<64x512xf32>
    %swap3A_89 = vector.shape_cast %slice3A_83 : vector<64x512xf32> to vector<1x64x512xf32>
    tpu.vector_store %arg2[%swap3A_84, %swap3A_85, %swap3A_86], %swap3A_89 {strides = array<i32>} : memref<25x64x1024xf32, #tpu.memory_space<vmem>>, vector<1x64x512xf32>,
    %slice3A_90 = vector.extract_strided_slice %transpose3A {offsets = [64, 3072], sizes = [64, 512], strides = [1, 1]} : vector<128x12800xf32> to vector<64x512xf32>
    %swap3A_91 = arith.constant 6 : index
    %swap3A_92 = arith.constant 0 : index
    %swap3A_93 = arith.constant 512 : index
    %swap3A_94 = vector.load %arg2[%swap3A_91, %swap3A_92, %swap3A_93] : memref<25x64x1024xf32, #tpu.memory_space<vmem>>, vector<1x64x512xf32>
    %swap3A_95 = vector.shape_cast %swap3A_94 : vector<1x64x512xf32> to vector<64x512xf32>
    %swap3A_96 = vector.shape_cast %slice3A_90 : vector<64x512xf32> to vector<1x64x512xf32>
    tpu.vector_store %arg2[%swap3A_91, %swap3A_92, %swap3A_93], %swap3A_96 {strides = array<i32>} : memref<25x64x1024xf32, #tpu.memory_space<vmem>>, vector<1x64x512xf32>,
    %slice3A_97 = vector.extract_strided_slice %transpose3A {offsets = [0, 3584], sizes = [64, 512], strides = [1, 1]} : vector<128x12800xf32> to vector<64x512xf32>
    %swap3A_98 = arith.constant 7 : index
    %swap3A_99 = arith.constant 0 : index
    %swap3A_100 = arith.constant 0 : index
    %swap3A_101 = vector.load %arg2[%swap3A_98, %swap3A_99, %swap3A_100] : memref<25x64x1024xf32, #tpu.memory_space<vmem>>, vector<1x64x512xf32>
    %swap3A_102 = vector.shape_cast %swap3A_101 : vector<1x64x512xf32> to vector<64x512xf32>
    %swap3A_103 = vector.shape_cast %slice3A_97 : vector<64x512xf32> to vector<1x64x512xf32>
    tpu.vector_store %arg2[%swap3A_98, %swap3A_99, %swap3A_100], %swap3A_103 {strides = array<i32>} : memref<25x64x1024xf32, #tpu.memory_space<vmem>>, vector<1x64x512xf32>,
    %slice3A_104 = vector.extract_strided_slice %transpose3A {offsets = [64, 3584], sizes = [64, 512], strides = [1, 1]} : vector<128x12800xf32> to vector<64x512xf32>
    %swap3A_105 = arith.constant 7 : index
    %swap3A_106 = arith.constant 0 : index
    %swap3A_107 = arith.constant 512 : index
    %swap3A_108 = vector.load %arg2[%swap3A_105, %swap3A_106, %swap3A_107] : memref<25x64x1024xf32, #tpu.memory_space<vmem>>, vector<1x64x512xf32>
    %swap3A_109 = vector.shape_cast %swap3A_108 : vector<1x64x512xf32> to vector<64x512xf32>
    %swap3A_110 = vector.shape_cast %slice3A_104 : vector<64x512xf32> to vector<1x64x512xf32>
    tpu.vector_store %arg2[%swap3A_105, %swap3A_106, %swap3A_107], %swap3A_110 {strides = array<i32>} : memref<25x64x1024xf32, #tpu.memory_space<vmem>>, vector<1x64x512xf32>,
    %slice3A_111 = vector.extract_strided_slice %transpose3A {offsets = [0, 4096], sizes = [64, 512], strides = [1, 1]} : vector<128x12800xf32> to vector<64x512xf32>
    %swap3A_112 = arith.constant 8 : index
    %swap3A_113 = arith.constant 0 : index
    %swap3A_114 = arith.constant 0 : index
    %swap3A_115 = vector.load %arg2[%swap3A_112, %swap3A_113, %swap3A_114] : memref<25x64x1024xf32, #tpu.memory_space<vmem>>, vector<1x64x512xf32>
    %swap3A_116 = vector.shape_cast %swap3A_115 : vector<1x64x512xf32> to vector<64x512xf32>
    %swap3A_117 = vector.shape_cast %slice3A_111 : vector<64x512xf32> to vector<1x64x512xf32>
    tpu.vector_store %arg2[%swap3A_112, %swap3A_113, %swap3A_114], %swap3A_117 {strides = array<i32>} : memref<25x64x1024xf32, #tpu.memory_space<vmem>>, vector<1x64x512xf32>,
    %slice3A_118 = vector.extract_strided_slice %transpose3A {offsets = [64, 4096], sizes = [64, 512], strides = [1, 1]} : vector<128x12800xf32> to vector<64x512xf32>
    %swap3A_119 = arith.constant 8 : index
    %swap3A_120 = arith.constant 0 : index
    %swap3A_121 = arith.constant 512 : index
    %swap3A_122 = vector.load %arg2[%swap3A_119, %swap3A_120, %swap3A_121] : memref<25x64x1024xf32, #tpu.memory_space<vmem>>, vector<1x64x512xf32>
    %swap3A_123 = vector.shape_cast %swap3A_122 : vector<1x64x512xf32> to vector<64x512xf32>
    %swap3A_124 = vector.shape_cast %slice3A_118 : vector<64x512xf32> to vector<1x64x512xf32>
    tpu.vector_store %arg2[%swap3A_119, %swap3A_120, %swap3A_121], %swap3A_124 {strides = array<i32>} : memref<25x64x1024xf32, #tpu.memory_space<vmem>>, vector<1x64x512xf32>,
    %slice3A_125 = vector.extract_strided_slice %transpose3A {offsets = [0, 4608], sizes = [64, 512], strides = [1, 1]} : vector<128x12800xf32> to vector<64x512xf32>
    %swap3A_126 = arith.constant 9 : index
    %swap3A_127 = arith.constant 0 : index
    %swap3A_128 = arith.constant 0 : index
    %swap3A_129 = vector.load %arg2[%swap3A_126, %swap3A_127, %swap3A_128] : memref<25x64x1024xf32, #tpu.memory_space<vmem>>, vector<1x64x512xf32>
    %swap3A_130 = vector.shape_cast %swap3A_129 : vector<1x64x512xf32> to vector<64x512xf32>
    %swap3A_131 = vector.shape_cast %slice3A_125 : vector<64x512xf32> to vector<1x64x512xf32>
    tpu.vector_store %arg2[%swap3A_126, %swap3A_127, %swap3A_128], %swap3A_131 {strides = array<i32>} : memref<25x64x1024xf32, #tpu.memory_space<vmem>>, vector<1x64x512xf32>,
    %slice3A_132 = vector.extract_strided_slice %transpose3A {offsets = [64, 4608], sizes = [64, 512], strides = [1, 1]} : vector<128x12800xf32> to vector<64x512xf32>
    %swap3A_133 = arith.constant 9 : index
    %swap3A_134 = arith.constant 0 : index
    %swap3A_135 = arith.constant 512 : index
    %swap3A_136 = vector.load %arg2[%swap3A_133, %swap3A_134, %swap3A_135] : memref<25x64x1024xf32, #tpu.memory_space<vmem>>, vector<1x64x512xf32>
    %swap3A_137 = vector.shape_cast %swap3A_136 : vector<1x64x512xf32> to vector<64x512xf32>
    %swap3A_138 = vector.shape_cast %slice3A_132 : vector<64x512xf32> to vector<1x64x512xf32>
    tpu.vector_store %arg2[%swap3A_133, %swap3A_134, %swap3A_135], %swap3A_138 {strides = array<i32>} : memref<25x64x1024xf32, #tpu.memory_space<vmem>>, vector<1x64x512xf32>,
    %slice3A_139 = vector.extract_strided_slice %transpose3A {offsets = [0, 5120], sizes = [64, 512], strides = [1, 1]} : vector<128x12800xf32> to vector<64x512xf32>
    %swap3A_140 = arith.constant 10 : index
    %swap3A_141 = arith.constant 0 : index
    %swap3A_142 = arith.constant 0 : index
    %swap3A_143 = vector.load %arg2[%swap3A_140, %swap3A_141, %swap3A_142] : memref<25x64x1024xf32, #tpu.memory_space<vmem>>, vector<1x64x512xf32>
    %swap3A_144 = vector.shape_cast %swap3A_143 : vector<1x64x512xf32> to vector<64x512xf32>
    %swap3A_145 = vector.shape_cast %slice3A_139 : vector<64x512xf32> to vector<1x64x512xf32>
    tpu.vector_store %arg2[%swap3A_140, %swap3A_141, %swap3A_142], %swap3A_145 {strides = array<i32>} : memref<25x64x1024xf32, #tpu.memory_space<vmem>>, vector<1x64x512xf32>,
    %slice3A_146 = vector.extract_strided_slice %transpose3A {offsets = [64, 5120], sizes = [64, 512], strides = [1, 1]} : vector<128x12800xf32> to vector<64x512xf32>
    %swap3A_147 = arith.constant 10 : index
    %swap3A_148 = arith.constant 0 : index
    %swap3A_149 = arith.constant 512 : index
    %swap3A_150 = vector.load %arg2[%swap3A_147, %swap3A_148, %swap3A_149] : memref<25x64x1024xf32, #tpu.memory_space<vmem>>, vector<1x64x512xf32>
    %swap3A_151 = vector.shape_cast %swap3A_150 : vector<1x64x512xf32> to vector<64x512xf32>
    %swap3A_152 = vector.shape_cast %slice3A_146 : vector<64x512xf32> to vector<1x64x512xf32>
    tpu.vector_store %arg2[%swap3A_147, %swap3A_148, %swap3A_149], %swap3A_152 {strides = array<i32>} : memref<25x64x1024xf32, #tpu.memory_space<vmem>>, vector<1x64x512xf32>,
    %slice3A_153 = vector.extract_strided_slice %transpose3A {offsets = [0, 5632], sizes = [64, 512], strides = [1, 1]} : vector<128x12800xf32> to vector<64x512xf32>
    %swap3A_154 = arith.constant 11 : index
    %swap3A_155 = arith.constant 0 : index
    %swap3A_156 = arith.constant 0 : index
    %swap3A_157 = vector.load %arg2[%swap3A_154, %swap3A_155, %swap3A_156] : memref<25x64x1024xf32, #tpu.memory_space<vmem>>, vector<1x64x512xf32>
    %swap3A_158 = vector.shape_cast %swap3A_157 : vector<1x64x512xf32> to vector<64x512xf32>
    %swap3A_159 = vector.shape_cast %slice3A_153 : vector<64x512xf32> to vector<1x64x512xf32>
    tpu.vector_store %arg2[%swap3A_154, %swap3A_155, %swap3A_156], %swap3A_159 {strides = array<i32>} : memref<25x64x1024xf32, #tpu.memory_space<vmem>>, vector<1x64x512xf32>,
    %slice3A_160 = vector.extract_strided_slice %transpose3A {offsets = [64, 5632], sizes = [64, 512], strides = [1, 1]} : vector<128x12800xf32> to vector<64x512xf32>
    %swap3A_161 = arith.constant 11 : index
    %swap3A_162 = arith.constant 0 : index
    %swap3A_163 = arith.constant 512 : index
    %swap3A_164 = vector.load %arg2[%swap3A_161, %swap3A_162, %swap3A_163] : memref<25x64x1024xf32, #tpu.memory_space<vmem>>, vector<1x64x512xf32>
    %swap3A_165 = vector.shape_cast %swap3A_164 : vector<1x64x512xf32> to vector<64x512xf32>
    %swap3A_166 = vector.shape_cast %slice3A_160 : vector<64x512xf32> to vector<1x64x512xf32>
    tpu.vector_store %arg2[%swap3A_161, %swap3A_162, %swap3A_163], %swap3A_166 {strides = array<i32>} : memref<25x64x1024xf32, #tpu.memory_space<vmem>>, vector<1x64x512xf32>,
    %slice3A_167 = vector.extract_strided_slice %transpose3A {offsets = [0, 6144], sizes = [64, 512], strides = [1, 1]} : vector<128x12800xf32> to vector<64x512xf32>
    %swap3A_168 = arith.constant 12 : index
    %swap3A_169 = arith.constant 0 : index
    %swap3A_170 = arith.constant 0 : index
    %swap3A_171 = vector.load %arg2[%swap3A_168, %swap3A_169, %swap3A_170] : memref<25x64x1024xf32, #tpu.memory_space<vmem>>, vector<1x64x512xf32>
    %swap3A_172 = vector.shape_cast %swap3A_171 : vector<1x64x512xf32> to vector<64x512xf32>
    %swap3A_173 = vector.shape_cast %slice3A_167 : vector<64x512xf32> to vector<1x64x512xf32>
    tpu.vector_store %arg2[%swap3A_168, %swap3A_169, %swap3A_170], %swap3A_173 {strides = array<i32>} : memref<25x64x1024xf32, #tpu.memory_space<vmem>>, vector<1x64x512xf32>,
    %slice3A_174 = vector.extract_strided_slice %transpose3A {offsets = [64, 6144], sizes = [64, 512], strides = [1, 1]} : vector<128x12800xf32> to vector<64x512xf32>
    %swap3A_175 = arith.constant 12 : index
    %swap3A_176 = arith.constant 0 : index
    %swap3A_177 = arith.constant 512 : index
    %swap3A_178 = vector.load %arg2[%swap3A_175, %swap3A_176, %swap3A_177] : memref<25x64x1024xf32, #tpu.memory_space<vmem>>, vector<1x64x512xf32>
    %swap3A_179 = vector.shape_cast %swap3A_178 : vector<1x64x512xf32> to vector<64x512xf32>
    %swap3A_180 = vector.shape_cast %slice3A_174 : vector<64x512xf32> to vector<1x64x512xf32>
    tpu.vector_store %arg2[%swap3A_175, %swap3A_176, %swap3A_177], %swap3A_180 {strides = array<i32>} : memref<25x64x1024xf32, #tpu.memory_space<vmem>>, vector<1x64x512xf32>,
    %slice3A_181 = vector.extract_strided_slice %transpose3A {offsets = [0, 6656], sizes = [64, 512], strides = [1, 1]} : vector<128x12800xf32> to vector<64x512xf32>
    %swap3A_182 = arith.constant 13 : index
    %swap3A_183 = arith.constant 0 : index
    %swap3A_184 = arith.constant 0 : index
    %swap3A_185 = vector.load %arg2[%swap3A_182, %swap3A_183, %swap3A_184] : memref<25x64x1024xf32, #tpu.memory_space<vmem>>, vector<1x64x512xf32>
    %swap3A_186 = vector.shape_cast %swap3A_185 : vector<1x64x512xf32> to vector<64x512xf32>
    %swap3A_187 = vector.shape_cast %slice3A_181 : vector<64x512xf32> to vector<1x64x512xf32>
    tpu.vector_store %arg2[%swap3A_182, %swap3A_183, %swap3A_184], %swap3A_187 {strides = array<i32>} : memref<25x64x1024xf32, #tpu.memory_space<vmem>>, vector<1x64x512xf32>,
    %slice3A_188 = vector.extract_strided_slice %transpose3A {offsets = [64, 6656], sizes = [64, 512], strides = [1, 1]} : vector<128x12800xf32> to vector<64x512xf32>
    %swap3A_189 = arith.constant 13 : index
    %swap3A_190 = arith.constant 0 : index
    %swap3A_191 = arith.constant 512 : index
    %swap3A_192 = vector.load %arg2[%swap3A_189, %swap3A_190, %swap3A_191] : memref<25x64x1024xf32, #tpu.memory_space<vmem>>, vector<1x64x512xf32>
    %swap3A_193 = vector.shape_cast %swap3A_192 : vector<1x64x512xf32> to vector<64x512xf32>
    %swap3A_194 = vector.shape_cast %slice3A_188 : vector<64x512xf32> to vector<1x64x512xf32>
    tpu.vector_store %arg2[%swap3A_189, %swap3A_190, %swap3A_191], %swap3A_194 {strides = array<i32>} : memref<25x64x1024xf32, #tpu.memory_space<vmem>>, vector<1x64x512xf32>,
    %slice3A_195 = vector.extract_strided_slice %transpose3A {offsets = [0, 7168], sizes = [64, 512], strides = [1, 1]} : vector<128x12800xf32> to vector<64x512xf32>
    %swap3A_196 = arith.constant 14 : index
    %swap3A_197 = arith.constant 0 : index
    %swap3A_198 = arith.constant 0 : index
    %swap3A_199 = vector.load %arg2[%swap3A_196, %swap3A_197, %swap3A_198] : memref<25x64x1024xf32, #tpu.memory_space<vmem>>, vector<1x64x512xf32>
    %swap3A_200 = vector.shape_cast %swap3A_199 : vector<1x64x512xf32> to vector<64x512xf32>
    %swap3A_201 = vector.shape_cast %slice3A_195 : vector<64x512xf32> to vector<1x64x512xf32>
    tpu.vector_store %arg2[%swap3A_196, %swap3A_197, %swap3A_198], %swap3A_201 {strides = array<i32>} : memref<25x64x1024xf32, #tpu.memory_space<vmem>>, vector<1x64x512xf32>,
    %slice3A_202 = vector.extract_strided_slice %transpose3A {offsets = [64, 7168], sizes = [64, 512], strides = [1, 1]} : vector<128x12800xf32> to vector<64x512xf32>
    %swap3A_203 = arith.constant 14 : index
    %swap3A_204 = arith.constant 0 : index
    %swap3A_205 = arith.constant 512 : index
    %swap3A_206 = vector.load %arg2[%swap3A_203, %swap3A_204, %swap3A_205] : memref<25x64x1024xf32, #tpu.memory_space<vmem>>, vector<1x64x512xf32>
    %swap3A_207 = vector.shape_cast %swap3A_206 : vector<1x64x512xf32> to vector<64x512xf32>
    %swap3A_208 = vector.shape_cast %slice3A_202 : vector<64x512xf32> to vector<1x64x512xf32>
    tpu.vector_store %arg2[%swap3A_203, %swap3A_204, %swap3A_205], %swap3A_208 {strides = array<i32>} : memref<25x64x1024xf32, #tpu.memory_space<vmem>>, vector<1x64x512xf32>,
    %slice3A_209 = vector.extract_strided_slice %transpose3A {offsets = [0, 7680], sizes = [64, 512], strides = [1, 1]} : vector<128x12800xf32> to vector<64x512xf32>
    %swap3A_210 = arith.constant 15 : index
    %swap3A_211 = arith.constant 0 : index
    %swap3A_212 = arith.constant 0 : index
    %swap3A_213 = vector.load %arg2[%swap3A_210, %swap3A_211, %swap3A_212] : memref<25x64x1024xf32, #tpu.memory_space<vmem>>, vector<1x64x512xf32>
    %swap3A_214 = vector.shape_cast %swap3A_213 : vector<1x64x512xf32> to vector<64x512xf32>
    %swap3A_215 = vector.shape_cast %slice3A_209 : vector<64x512xf32> to vector<1x64x512xf32>
    tpu.vector_store %arg2[%swap3A_210, %swap3A_211, %swap3A_212], %swap3A_215 {strides = array<i32>} : memref<25x64x1024xf32, #tpu.memory_space<vmem>>, vector<1x64x512xf32>,
    %slice3A_216 = vector.extract_strided_slice %transpose3A {offsets = [64, 7680], sizes = [64, 512], strides = [1, 1]} : vector<128x12800xf32> to vector<64x512xf32>
    %swap3A_217 = arith.constant 15 : index
    %swap3A_218 = arith.constant 0 : index
    %swap3A_219 = arith.constant 512 : index
    %swap3A_220 = vector.load %arg2[%swap3A_217, %swap3A_218, %swap3A_219] : memref<25x64x1024xf32, #tpu.memory_space<vmem>>, vector<1x64x512xf32>
    %swap3A_221 = vector.shape_cast %swap3A_220 : vector<1x64x512xf32> to vector<64x512xf32>
    %swap3A_222 = vector.shape_cast %slice3A_216 : vector<64x512xf32> to vector<1x64x512xf32>
    tpu.vector_store %arg2[%swap3A_217, %swap3A_218, %swap3A_219], %swap3A_222 {strides = array<i32>} : memref<25x64x1024xf32, #tpu.memory_space<vmem>>, vector<1x64x512xf32>,
    %slice3A_223 = vector.extract_strided_slice %transpose3A {offsets = [0, 8192], sizes = [64, 512], strides = [1, 1]} : vector<128x12800xf32> to vector<64x512xf32>
    %swap3A_224 = arith.constant 16 : index
    %swap3A_225 = arith.constant 0 : index
    %swap3A_226 = arith.constant 0 : index
    %swap3A_227 = vector.load %arg2[%swap3A_224, %swap3A_225, %swap3A_226] : memref<25x64x1024xf32, #tpu.memory_space<vmem>>, vector<1x64x512xf32>
    %swap3A_228 = vector.shape_cast %swap3A_227 : vector<1x64x512xf32> to vector<64x512xf32>
    %swap3A_229 = vector.shape_cast %slice3A_223 : vector<64x512xf32> to vector<1x64x512xf32>
    tpu.vector_store %arg2[%swap3A_224, %swap3A_225, %swap3A_226], %swap3A_229 {strides = array<i32>} : memref<25x64x1024xf32, #tpu.memory_space<vmem>>, vector<1x64x512xf32>,
    %slice3A_230 = vector.extract_strided_slice %transpose3A {offsets = [64, 8192], sizes = [64, 512], strides = [1, 1]} : vector<128x12800xf32> to vector<64x512xf32>
    %swap3A_231 = arith.constant 16 : index
    %swap3A_232 = arith.constant 0 : index
    %swap3A_233 = arith.constant 512 : index
    %swap3A_234 = vector.load %arg2[%swap3A_231, %swap3A_232, %swap3A_233] : memref<25x64x1024xf32, #tpu.memory_space<vmem>>, vector<1x64x512xf32>
    %swap3A_235 = vector.shape_cast %swap3A_234 : vector<1x64x512xf32> to vector<64x512xf32>
    %swap3A_236 = vector.shape_cast %slice3A_230 : vector<64x512xf32> to vector<1x64x512xf32>
    tpu.vector_store %arg2[%swap3A_231, %swap3A_232, %swap3A_233], %swap3A_236 {strides = array<i32>} : memref<25x64x1024xf32, #tpu.memory_space<vmem>>, vector<1x64x512xf32>,
    %slice3A_237 = vector.extract_strided_slice %transpose3A {offsets = [0, 8704], sizes = [64, 512], strides = [1, 1]} : vector<128x12800xf32> to vector<64x512xf32>
    %swap3A_238 = arith.constant 17 : index
    %swap3A_239 = arith.constant 0 : index
    %swap3A_240 = arith.constant 0 : index
    %swap3A_241 = vector.load %arg2[%swap3A_238, %swap3A_239, %swap3A_240] : memref<25x64x1024xf32, #tpu.memory_space<vmem>>, vector<1x64x512xf32>
    %swap3A_242 = vector.shape_cast %swap3A_241 : vector<1x64x512xf32> to vector<64x512xf32>
    %swap3A_243 = vector.shape_cast %slice3A_237 : vector<64x512xf32> to vector<1x64x512xf32>
    tpu.vector_store %arg2[%swap3A_238, %swap3A_239, %swap3A_240], %swap3A_243 {strides = array<i32>} : memref<25x64x1024xf32, #tpu.memory_space<vmem>>, vector<1x64x512xf32>,
    %slice3A_244 = vector.extract_strided_slice %transpose3A {offsets = [64, 8704], sizes = [64, 512], strides = [1, 1]} : vector<128x12800xf32> to vector<64x512xf32>
    %swap3A_245 = arith.constant 17 : index
    %swap3A_246 = arith.constant 0 : index
    %swap3A_247 = arith.constant 512 : index
    %swap3A_248 = vector.load %arg2[%swap3A_245, %swap3A_246, %swap3A_247] : memref<25x64x1024xf32, #tpu.memory_space<vmem>>, vector<1x64x512xf32>
    %swap3A_249 = vector.shape_cast %swap3A_248 : vector<1x64x512xf32> to vector<64x512xf32>
    %swap3A_250 = vector.shape_cast %slice3A_244 : vector<64x512xf32> to vector<1x64x512xf32>
    tpu.vector_store %arg2[%swap3A_245, %swap3A_246, %swap3A_247], %swap3A_250 {strides = array<i32>} : memref<25x64x1024xf32, #tpu.memory_space<vmem>>, vector<1x64x512xf32>,
    %slice3A_251 = vector.extract_strided_slice %transpose3A {offsets = [0, 9216], sizes = [64, 512], strides = [1, 1]} : vector<128x12800xf32> to vector<64x512xf32>
    %swap3A_252 = arith.constant 18 : index
    %swap3A_253 = arith.constant 0 : index
    %swap3A_254 = arith.constant 0 : index
    %swap3A_255 = vector.load %arg2[%swap3A_252, %swap3A_253, %swap3A_254] : memref<25x64x1024xf32, #tpu.memory_space<vmem>>, vector<1x64x512xf32>
    %swap3A_256 = vector.shape_cast %swap3A_255 : vector<1x64x512xf32> to vector<64x512xf32>
    %swap3A_257 = vector.shape_cast %slice3A_251 : vector<64x512xf32> to vector<1x64x512xf32>
    tpu.vector_store %arg2[%swap3A_252, %swap3A_253, %swap3A_254], %swap3A_257 {strides = array<i32>} : memref<25x64x1024xf32, #tpu.memory_space<vmem>>, vector<1x64x512xf32>,
    %slice3A_258 = vector.extract_strided_slice %transpose3A {offsets = [64, 9216], sizes = [64, 512], strides = [1, 1]} : vector<128x12800xf32> to vector<64x512xf32>
    %swap3A_259 = arith.constant 18 : index
    %swap3A_260 = arith.constant 0 : index
    %swap3A_261 = arith.constant 512 : index
    %swap3A_262 = vector.load %arg2[%swap3A_259, %swap3A_260, %swap3A_261] : memref<25x64x1024xf32, #tpu.memory_space<vmem>>, vector<1x64x512xf32>
    %swap3A_263 = vector.shape_cast %swap3A_262 : vector<1x64x512xf32> to vector<64x512xf32>
    %swap3A_264 = vector.shape_cast %slice3A_258 : vector<64x512xf32> to vector<1x64x512xf32>
    tpu.vector_store %arg2[%swap3A_259, %swap3A_260, %swap3A_261], %swap3A_264 {strides = array<i32>} : memref<25x64x1024xf32, #tpu.memory_space<vmem>>, vector<1x64x512xf32>,
    %slice3A_265 = vector.extract_strided_slice %transpose3A {offsets = [0, 9728], sizes = [64, 512], strides = [1, 1]} : vector<128x12800xf32> to vector<64x512xf32>
    %swap3A_266 = arith.constant 19 : index
    %swap3A_267 = arith.constant 0 : index
    %swap3A_268 = arith.constant 0 : index
    %swap3A_269 = vector.load %arg2[%swap3A_266, %swap3A_267, %swap3A_268] : memref<25x64x1024xf32, #tpu.memory_space<vmem>>, vector<1x64x512xf32>
    %swap3A_270 = vector.shape_cast %swap3A_269 : vector<1x64x512xf32> to vector<64x512xf32>
    %swap3A_271 = vector.shape_cast %slice3A_265 : vector<64x512xf32> to vector<1x64x512xf32>
    tpu.vector_store %arg2[%swap3A_266, %swap3A_267, %swap3A_268], %swap3A_271 {strides = array<i32>} : memref<25x64x1024xf32, #tpu.memory_space<vmem>>, vector<1x64x512xf32>,
    %slice3A_272 = vector.extract_strided_slice %transpose3A {offsets = [64, 9728], sizes = [64, 512], strides = [1, 1]} : vector<128x12800xf32> to vector<64x512xf32>
    %swap3A_273 = arith.constant 19 : index
    %swap3A_274 = arith.constant 0 : index
    %swap3A_275 = arith.constant 512 : index
    %swap3A_276 = vector.load %arg2[%swap3A_273, %swap3A_274, %swap3A_275] : memref<25x64x1024xf32, #tpu.memory_space<vmem>>, vector<1x64x512xf32>
    %swap3A_277 = vector.shape_cast %swap3A_276 : vector<1x64x512xf32> to vector<64x512xf32>
    %swap3A_278 = vector.shape_cast %slice3A_272 : vector<64x512xf32> to vector<1x64x512xf32>
    tpu.vector_store %arg2[%swap3A_273, %swap3A_274, %swap3A_275], %swap3A_278 {strides = array<i32>} : memref<25x64x1024xf32, #tpu.memory_space<vmem>>, vector<1x64x512xf32>,
    %slice3A_279 = vector.extract_strided_slice %transpose3A {offsets = [0, 10240], sizes = [64, 512], strides = [1, 1]} : vector<128x12800xf32> to vector<64x512xf32>
    %swap3A_280 = arith.constant 20 : index
    %swap3A_281 = arith.constant 0 : index
    %swap3A_282 = arith.constant 0 : index
    %swap3A_283 = vector.load %arg2[%swap3A_280, %swap3A_281, %swap3A_282] : memref<25x64x1024xf32, #tpu.memory_space<vmem>>, vector<1x64x512xf32>
    %swap3A_284 = vector.shape_cast %swap3A_283 : vector<1x64x512xf32> to vector<64x512xf32>
    %swap3A_285 = vector.shape_cast %slice3A_279 : vector<64x512xf32> to vector<1x64x512xf32>
    tpu.vector_store %arg2[%swap3A_280, %swap3A_281, %swap3A_282], %swap3A_285 {strides = array<i32>} : memref<25x64x1024xf32, #tpu.memory_space<vmem>>, vector<1x64x512xf32>,
    %slice3A_286 = vector.extract_strided_slice %transpose3A {offsets = [64, 10240], sizes = [64, 512], strides = [1, 1]} : vector<128x12800xf32> to vector<64x512xf32>
    %swap3A_287 = arith.constant 20 : index
    %swap3A_288 = arith.constant 0 : index
    %swap3A_289 = arith.constant 512 : index
    %swap3A_290 = vector.load %arg2[%swap3A_287, %swap3A_288, %swap3A_289] : memref<25x64x1024xf32, #tpu.memory_space<vmem>>, vector<1x64x512xf32>
    %swap3A_291 = vector.shape_cast %swap3A_290 : vector<1x64x512xf32> to vector<64x512xf32>
    %swap3A_292 = vector.shape_cast %slice3A_286 : vector<64x512xf32> to vector<1x64x512xf32>
    tpu.vector_store %arg2[%swap3A_287, %swap3A_288, %swap3A_289], %swap3A_292 {strides = array<i32>} : memref<25x64x1024xf32, #tpu.memory_space<vmem>>, vector<1x64x512xf32>,
    %slice3A_293 = vector.extract_strided_slice %transpose3A {offsets = [0, 10752], sizes = [64, 512], strides = [1, 1]} : vector<128x12800xf32> to vector<64x512xf32>
    %swap3A_294 = arith.constant 21 : index
    %swap3A_295 = arith.constant 0 : index
    %swap3A_296 = arith.constant 0 : index
    %swap3A_297 = vector.load %arg2[%swap3A_294, %swap3A_295, %swap3A_296] : memref<25x64x1024xf32, #tpu.memory_space<vmem>>, vector<1x64x512xf32>
    %swap3A_298 = vector.shape_cast %swap3A_297 : vector<1x64x512xf32> to vector<64x512xf32>
    %swap3A_299 = vector.shape_cast %slice3A_293 : vector<64x512xf32> to vector<1x64x512xf32>
    tpu.vector_store %arg2[%swap3A_294, %swap3A_295, %swap3A_296], %swap3A_299 {strides = array<i32>} : memref<25x64x1024xf32, #tpu.memory_space<vmem>>, vector<1x64x512xf32>,
    %slice3A_300 = vector.extract_strided_slice %transpose3A {offsets = [64, 10752], sizes = [64, 512], strides = [1, 1]} : vector<128x12800xf32> to vector<64x512xf32>
    %swap3A_301 = arith.constant 21 : index
    %swap3A_302 = arith.constant 0 : index
    %swap3A_303 = arith.constant 512 : index
    %swap3A_304 = vector.load %arg2[%swap3A_301, %swap3A_302, %swap3A_303] : memref<25x64x1024xf32, #tpu.memory_space<vmem>>, vector<1x64x512xf32>
    %swap3A_305 = vector.shape_cast %swap3A_304 : vector<1x64x512xf32> to vector<64x512xf32>
    %swap3A_306 = vector.shape_cast %slice3A_300 : vector<64x512xf32> to vector<1x64x512xf32>
    tpu.vector_store %arg2[%swap3A_301, %swap3A_302, %swap3A_303], %swap3A_306 {strides = array<i32>} : memref<25x64x1024xf32, #tpu.memory_space<vmem>>, vector<1x64x512xf32>,
    %slice3A_307 = vector.extract_strided_slice %transpose3A {offsets = [0, 11264], sizes = [64, 512], strides = [1, 1]} : vector<128x12800xf32> to vector<64x512xf32>
    %swap3A_308 = arith.constant 22 : index
    %swap3A_309 = arith.constant 0 : index
    %swap3A_310 = arith.constant 0 : index
    %swap3A_311 = vector.load %arg2[%swap3A_308, %swap3A_309, %swap3A_310] : memref<25x64x1024xf32, #tpu.memory_space<vmem>>, vector<1x64x512xf32>
    %swap3A_312 = vector.shape_cast %swap3A_311 : vector<1x64x512xf32> to vector<64x512xf32>
    %swap3A_313 = vector.shape_cast %slice3A_307 : vector<64x512xf32> to vector<1x64x512xf32>
    tpu.vector_store %arg2[%swap3A_308, %swap3A_309, %swap3A_310], %swap3A_313 {strides = array<i32>} : memref<25x64x1024xf32, #tpu.memory_space<vmem>>, vector<1x64x512xf32>,
    %slice3A_314 = vector.extract_strided_slice %transpose3A {offsets = [64, 11264], sizes = [64, 512], strides = [1, 1]} : vector<128x12800xf32> to vector<64x512xf32>
    %swap3A_315 = arith.constant 22 : index
    %swap3A_316 = arith.constant 0 : index
    %swap3A_317 = arith.constant 512 : index
    %swap3A_318 = vector.load %arg2[%swap3A_315, %swap3A_316, %swap3A_317] : memref<25x64x1024xf32, #tpu.memory_space<vmem>>, vector<1x64x512xf32>
    %swap3A_319 = vector.shape_cast %swap3A_318 : vector<1x64x512xf32> to vector<64x512xf32>
    %swap3A_320 = vector.shape_cast %slice3A_314 : vector<64x512xf32> to vector<1x64x512xf32>
    tpu.vector_store %arg2[%swap3A_315, %swap3A_316, %swap3A_317], %swap3A_320 {strides = array<i32>} : memref<25x64x1024xf32, #tpu.memory_space<vmem>>, vector<1x64x512xf32>,
    %slice3A_321 = vector.extract_strided_slice %transpose3A {offsets = [0, 11776], sizes = [64, 512], strides = [1, 1]} : vector<128x12800xf32> to vector<64x512xf32>
    %swap3A_322 = arith.constant 23 : index
    %swap3A_323 = arith.constant 0 : index
    %swap3A_324 = arith.constant 0 : index
    %swap3A_325 = vector.load %arg2[%swap3A_322, %swap3A_323, %swap3A_324] : memref<25x64x1024xf32, #tpu.memory_space<vmem>>, vector<1x64x512xf32>
    %swap3A_326 = vector.shape_cast %swap3A_325 : vector<1x64x512xf32> to vector<64x512xf32>
    %swap3A_327 = vector.shape_cast %slice3A_321 : vector<64x512xf32> to vector<1x64x512xf32>
    tpu.vector_store %arg2[%swap3A_322, %swap3A_323, %swap3A_324], %swap3A_327 {strides = array<i32>} : memref<25x64x1024xf32, #tpu.memory_space<vmem>>, vector<1x64x512xf32>,
    %slice3A_328 = vector.extract_strided_slice %transpose3A {offsets = [64, 11776], sizes = [64, 512], strides = [1, 1]} : vector<128x12800xf32> to vector<64x512xf32>
    %swap3A_329 = arith.constant 23 : index
    %swap3A_330 = arith.constant 0 : index
    %swap3A_331 = arith.constant 512 : index
    %swap3A_332 = vector.load %arg2[%swap3A_329, %swap3A_330, %swap3A_331] : memref<25x64x1024xf32, #tpu.memory_space<vmem>>, vector<1x64x512xf32>
    %swap3A_333 = vector.shape_cast %swap3A_332 : vector<1x64x512xf32> to vector<64x512xf32>
    %swap3A_334 = vector.shape_cast %slice3A_328 : vector<64x512xf32> to vector<1x64x512xf32>
    tpu.vector_store %arg2[%swap3A_329, %swap3A_330, %swap3A_331], %swap3A_334 {strides = array<i32>} : memref<25x64x1024xf32, #tpu.memory_space<vmem>>, vector<1x64x512xf32>,
    %slice3A_335 = vector.extract_strided_slice %transpose3A {offsets = [0, 12288], sizes = [64, 512], strides = [1, 1]} : vector<128x12800xf32> to vector<64x512xf32>
    %swap3A_336 = arith.constant 24 : index
    %swap3A_337 = arith.constant 0 : index
    %swap3A_338 = arith.constant 0 : index
    %swap3A_339 = vector.load %arg2[%swap3A_336, %swap3A_337, %swap3A_338] : memref<25x64x1024xf32, #tpu.memory_space<vmem>>, vector<1x64x512xf32>
    %swap3A_340 = vector.shape_cast %swap3A_339 : vector<1x64x512xf32> to vector<64x512xf32>
    %swap3A_341 = vector.shape_cast %slice3A_335 : vector<64x512xf32> to vector<1x64x512xf32>
    tpu.vector_store %arg2[%swap3A_336, %swap3A_337, %swap3A_338], %swap3A_341 {strides = array<i32>} : memref<25x64x1024xf32, #tpu.memory_space<vmem>>, vector<1x64x512xf32>,
    %slice3A_342 = vector.extract_strided_slice %transpose3A {offsets = [64, 12288], sizes = [64, 512], strides = [1, 1]} : vector<128x12800xf32> to vector<64x512xf32>
    %swap3A_343 = arith.constant 24 : index
    %swap3A_344 = arith.constant 0 : index
    %swap3A_345 = arith.constant 512 : index
    %swap3A_346 = vector.load %arg2[%swap3A_343, %swap3A_344, %swap3A_345] : memref<25x64x1024xf32, #tpu.memory_space<vmem>>, vector<1x64x512xf32>
    %swap3A_347 = vector.shape_cast %swap3A_346 : vector<1x64x512xf32> to vector<64x512xf32>
    %swap3A_348 = vector.shape_cast %slice3A_342 : vector<64x512xf32> to vector<1x64x512xf32>
    tpu.vector_store %arg2[%swap3A_343, %swap3A_344, %swap3A_345], %swap3A_348 {strides = array<i32>} : memref<25x64x1024xf32, #tpu.memory_space<vmem>>, vector<1x64x512xf32>,
    %reshape3A_349 = vector.shape_cast %reshape3A : vector<12800x128xf32> to vector<25x512x128xf32>
    %reduce_sum3A = arith.constant dense<0.000000e+00> : vector<512x128xf32>
    %reduce_sum3A_350 = vector.multi_reduction <add>, %reshape3A_349, %reduce_sum3A [0] : vector<25x512x128xf32> to vector<512x128xf32>
    %eq3A = arith.constant 0 : i32
    %eq3A_351 = arith.cmpi eq, %arg0, %eq3A : i32
    %convert_element_type3A = arith.extui %eq3A_351 : i1 to i32
    %cond3A = arith.constant 0 : i32
    %cond3A_352 = arith.cmpi ne, %convert_element_type3A, %cond3A : i32
    scf.if %cond3A_352 {
      %swap3A_362 = arith.constant 0 : index
      %swap3A_363 = arith.constant 0 : index
      %swap3A_364 = vector.load %arg5[%swap3A_362, %swap3A_363] : memref<512x128xf32, #tpu.memory_space<vmem>>, vector<512x128xf32>
      tpu.vector_store %arg5[%swap3A_362, %swap3A_363], %reduce_sum3A_350 {strides = array<i32>} : memref<512x128xf32, #tpu.memory_space<vmem>>, vector<512x128xf32>,
    } else {
    }
    %gt3A = arith.constant 0 : i32
    %gt3A_353 = arith.cmpi sgt, %arg0, %gt3A : i32
    %convert_element_type3A_354 = arith.extui %gt3A_353 : i1 to i32
    %cond3A_355 = arith.constant 0 : i32
    %cond3A_356 = arith.cmpi ne, %convert_element_type3A_354, %cond3A_355 : i32
    scf.if %cond3A_356 {
      %get3A_362 = arith.constant 0 : index
      %get3A_363 = arith.constant 0 : index
      %get3A_364 = vector.load %arg5[%get3A_362, %get3A_363] : memref<512x128xf32, #tpu.memory_space<vmem>>, vector<512x128xf32>
      %add3A = arith.addf %get3A_364, %reduce_sum3A_350 : vector<512x128xf32>
      %swap3A_365 = arith.constant 0 : index
      %swap3A_366 = arith.constant 0 : index
      %swap3A_367 = vector.load %arg5[%swap3A_365, %swap3A_366] : memref<512x128xf32, #tpu.memory_space<vmem>>, vector<512x128xf32>
      tpu.vector_store %arg5[%swap3A_365, %swap3A_366], %add3A {strides = array<i32>} : memref<512x128xf32, #tpu.memory_space<vmem>>, vector<512x128xf32>,
    } else {
    }
    %eq3A_357 = arith.constant 7 : i32
    %eq3A_358 = arith.cmpi eq, %arg0, %eq3A_357 : i32
    %convert_element_type3A_359 = arith.extui %eq3A_358 : i1 to i32
    %cond3A_360 = arith.constant 0 : i32
    %cond3A_361 = arith.cmpi ne, %convert_element_type3A_359, %cond3A_360 : i32
    scf.if %cond3A_361 {
      %get3A_362 = arith.constant 0 : index
      %get3A_363 = arith.constant 0 : index
      %get3A_364 = vector.load %arg5[%get3A_362, %get3A_363] : memref<512x128xf32, #tpu.memory_space<vmem>>, vector<512x128xf32>
      %transpose3A_365 = tpu.transpose %get3A_364, [1, 0] : vector<512x128xf32> -> vector<128x512xf32>
      %mul3A = arith.constant 5.000000e-03 : f32
      %mul3A_366 = vector.broadcast %mul3A : f32 to vector<128x512xf32>
      %mul3A_367 = arith.mulf %transpose3A_365, %mul3A_366 : vector<128x512xf32>
      %slice3A_368 = vector.extract_strided_slice %mul3A_367 {offsets = [0, 0], sizes = [64, 512], strides = [1, 1]} : vector<128x512xf32> to vector<64x512xf32>
      %broadcast_in_dim3A = vector.shape_cast %slice3A_368 : vector<64x512xf32> to vector<1x64x512xf32>
      %broadcast_in_dim3A_369 = vector.shape_cast %broadcast_in_dim3A : vector<1x64x512xf32> to vector<1x64x512xf32>
      %broadcast_in_dim3A_370 = vector.broadcast %broadcast_in_dim3A_369 : vector<1x64x512xf32> to vector<2x64x512xf32>
      %slice3A_371 = vector.extract_strided_slice %mul3A_367 {offsets = [64, 0], sizes = [64, 512], strides = [1, 1]} : vector<128x512xf32> to vector<64x512xf32>
      %broadcast_in_dim3A_372 = vector.shape_cast %slice3A_371 : vector<64x512xf32> to vector<1x64x512xf32>
      %broadcast_in_dim3A_373 = vector.shape_cast %broadcast_in_dim3A_372 : vector<1x64x512xf32> to vector<1x64x512xf32>
      %broadcast_in_dim3A_374 = vector.broadcast %broadcast_in_dim3A_373 : vector<1x64x512xf32> to vector<2x64x512xf32>
      %swap3A_375 = arith.constant 0 : index
      %swap3A_376 = arith.constant 0 : index
      %swap3A_377 = arith.constant 0 : index
      %swap3A_378 = vector.load %arg3[%swap3A_375, %swap3A_376, %swap3A_377] : memref<2x64x1024xf32, #tpu.memory_space<vmem>>, vector<2x64x512xf32>
      tpu.vector_store %arg3[%swap3A_375, %swap3A_376, %swap3A_377], %broadcast_in_dim3A_370 {strides = array<i32>} : memref<2x64x1024xf32, #tpu.memory_space<vmem>>, vector<2x64x512xf32>,
      %swap3A_379 = arith.constant 0 : index
      %swap3A_380 = arith.constant 0 : index
      %swap3A_381 = arith.constant 512 : index
      %swap3A_382 = vector.load %arg3[%swap3A_379, %swap3A_380, %swap3A_381] : memref<2x64x1024xf32, #tpu.memory_space<vmem>>, vector<2x64x512xf32>
      tpu.vector_store %arg3[%swap3A_379, %swap3A_380, %swap3A_381], %broadcast_in_dim3A_374 {strides = array<i32>} : memref<2x64x1024xf32, #tpu.memory_space<vmem>>, vector<2x64x512xf32>,
      %swap3A_383 = arith.constant 0 : index
      %swap3A_384 = arith.constant 0 : index
      %swap3A_385 = arith.constant 0 : index
      %swap3A_386 = vector.load %arg4[%swap3A_383, %swap3A_384, %swap3A_385] : memref<2x64x1024xf32, #tpu.memory_space<vmem>>, vector<2x64x512xf32>
      tpu.vector_store %arg4[%swap3A_383, %swap3A_384, %swap3A_385], %broadcast_in_dim3A_370 {strides = array<i32>} : memref<2x64x1024xf32, #tpu.memory_space<vmem>>, vector<2x64x512xf32>,
      %swap3A_387 = arith.constant 0 : index
      %swap3A_388 = arith.constant 0 : index
      %swap3A_389 = arith.constant 512 : index
      %swap3A_390 = vector.load %arg4[%swap3A_387, %swap3A_388, %swap3A_389] : memref<2x64x1024xf32, #tpu.memory_space<vmem>>, vector<2x64x512xf32>
      tpu.vector_store %arg4[%swap3A_387, %swap3A_388, %swap3A_389], %broadcast_in_dim3A_374 {strides = array<i32>} : memref<2x64x1024xf32, #tpu.memory_space<vmem>>, vector<2x64x512xf32>,
    } else {
    }
    return
  }
  func.func @transform_0(%arg0: i32) -> i32 {
    %c0_i32 = arith.constant 0 : i32
    return %arg0 : i32
  }
  func.func @transform_1(%arg0: i32) -> (i32, i32, i32) {
    %c0_i32 = arith.constant 0 : i32
    %c0_i32_0 = arith.constant 0 : i32
    %c0_i32_1 = arith.constant 0 : i32
    return %arg0, %c0_i32, %c0_i32_0 : i32, i32, i32
  }
  func.func @transform_2(%arg0: i32) -> (i32, i32, i32) {
    %c0_i32 = arith.constant 0 : i32
    %c0_i32_0 = arith.constant 0 : i32
    %c0_i32_1 = arith.constant 0 : i32
    %c0_i32_2 = arith.constant 0 : i32
    return %c0_i32, %c0_i32_0, %c0_i32_1 : i32, i32, i32
  }
  func.func @transform_3(%arg0: i32) -> (i32, i32, i32) {
    %c0_i32 = arith.constant 0 : i32
    %c0_i32_0 = arith.constant 0 : i32
    %c0_i32_1 = arith.constant 0 : i32
    %c0_i32_2 = arith.constant 0 : i32
    return %c0_i32, %c0_i32_0, %c0_i32_1 : i32, i32, i32
  }
}

</mosaic_0001>

<sc_bundles>
// kernel: kernel.4.cloned.1.call-start
scs
__scs_entry_jumppad:
0x0: {  	(pc) =	sbr.rel $0x88, $3  }
0x1: {  	(tag) =	ssettag $0x0;
	lr =	simm.s32 $0x1  }
0x2: {  	[smem:$0x3F9F] =	sst lr;
	_ =	strace $0xD0000000  }
0x3: {  	_ = 	snop  }
0x4: {  	_ = 	snop  }
0x5: {  	_ = 	snop  }
0x6: {  	_ = 	snop  }
0x7: {  	_ = 	snop  }
__scs_overlays_trampoline_lowered:
0x8: {  	[smem:$0x3FAE] =	sst s0  }
0x9: {  	[smem:$0x3FAF] =	sst s1  }
0xa: {  	[smem:$0x3FB0] =	sst s2  }
0xb: {  	[smem:$0x3FB1] =	sst s3  }
0xc: {  	[smem:$0x3FB2] =	sst s4  }
0xd: {  	[smem:$0x3FB3] =	sst s5  }
0xe: {  	[smem:$0x3FB4] =	sst s6  }
0xf: {  	[smem:$0x3FB5] =	sst s7  }
0x10: {  	[smem:$0x3FB6] =	sst s8  }
0x11: {  	[smem:$0x3FB7] =	sst s9;
	s0 =	simm.s32 @!p0 $0x0  }
0x12: {  	s1 =	sld [smem:$0x3F9D];
	s0 =	simm.s32 @p0 $0x1  }
0x13: {  	[smem:$0x3FB8] =	sst s0;
	s0 =	simm.s32 @!p1 $0x0  }
0x14: {  	s2 =	sld [smem:$0x3F9C];
	s0 =	simm.s32 @p1 $0x1  }
0x15: {  	[smem:$0x3FB9] =	sst s0;
	s0 =	simm.s32 @!p2 $0x0  }
0x16: {  	s3 =	sld [smem:$0x3FDB];
	s0 =	simm.s32 @p2 $0x1  }
0x17: {  	s4 =	simm.s32 $0x1BF5;
	[smem:$0x3FBB] =	sst s0  }
0x18: {  	s0 =	sld [smem:$0x3F9E];
	_ =	swait.ge [sflag:s4], $0x0  }
0x19: {  	s7 =	sld [smem:$0x3F9F]  }
0x1a: {  	s8 =	sadd.s32 $0xFFFFE003, lr  }
0x1b: {  	s9 =	sadd.s32 $0xFFFFFEF7, lr;
	s5 =	simm.s32 $0xFFFFFFFF;
	p2 =	slt.u32 s8, $0xFFFFF086  }
0x1c: {  	p1 =	slt.u32 s9, $0xF7A;
	s5 =	simm.s32 @!p2 $0x0  }
0x1d: {  	s5 =	simm.s32 @p1 $0x1;
	p0 =	seq.s32 s7, s2  }
0x1e: {  	s7 =	smul.u32 @!p0 $0xF7A, s2;
	p2 =	seq.s32 @!p0 s5, $0x0  }
0x1f: {  	s9 =	smul.u32 $0xF7A, s1;
	s8 =	simm.s32 @!p0 $0x1BF5;
	p2 =	por !p2, p0  }
0x20: {  	[sflag:s8] =	ssyncset.s32 @!p0 $0xFFFFF086;
	s6 =	sadd.s32 @!p0 s3, s7;
	s7 =	simm.s32 @!p0 $0x108  }
0x21: {  	s3 =	sadd.s32 s3, s9;
	s6 =	sadd.s32 @!p0 $0x88, s6;
	s7 =	simm.s32 @p2 $0x1082  }
0x22: {  	[simem:s7], [sflag:s8] =	dma.local @!p0 [hbm:s6], $0xF7A  }
0x23: {  	s9 =	sor.u32 $0xD0000000, s2;
	s6 =	simm.s32 $0x108;
	_ =	swait.ge @!p0 [sflag:s8], $0x0  }
0x24: {  	s3 =	sadd.s32 $0x88, s3;
	s6 =	simm.s32 @!p1 $0x1082;
	[sflag:s4] =	ssyncset.s32 $0xFFFFF086  }
0x25: {  	[simem:s6], [sflag:s4] =	dma.local [hbm:s3], $0xF7A  }
0x26: {  	[smem:$0x3F9F] =	sst s1;
	(tag) =	ssettag s2;
	_ =	strace s9  }
0x27: {  	s1 =	sld [smem:$0x3FAF]  }
0x28: {  	s2 =	sld [smem:$0x3FB0]  }
0x29: {  	s4 =	sld [smem:$0x3FB2]  }
0x2a: {  	p0 =	seq.s32 s5, $0x0;
	s5 =	sld [smem:$0x3FB3]  }
0x2b: {  	s6 =	sld [smem:$0x3FB4]  }
0x2c: {  	s7 =	sld [smem:$0x3FB5]  }
0x2d: {  	s3 =	simm.s32 $0x108;
	s8 =	sld [smem:$0x3FB6]  }
0x2e: {  	s3 =	simm.s32 @!p0 $0x1082;
	s9 =	sld [smem:$0x3FB7]  }
0x2f: {  	lr =	sadd.s32 s0, s3;
	s0 =	sld [smem:$0x3FAE]  }
0x30: {  	s3 =	sld [smem:$0x3FB1]  }
0x31: {  	[smem:$0x3FBA] =	sst s10  }
0x32: {  	s10 =	sld [smem:$0x3FB8];
	_ =	sdelay $0x3  }
0x33: {  	p0 =	seq.s32 s10, $0x1;
	s10 =	sld [smem:$0x3FBA];
	_ =	sdelay $0x3  }
0x34: {  	[smem:$0x3FBA] =	sst s10  }
0x35: {  	s10 =	sld [smem:$0x3FB9];
	_ =	sdelay $0x3  }
0x36: {  	p1 =	seq.s32 s10, $0x1;
	s10 =	sld [smem:$0x3FBA];
	_ =	sdelay $0x3  }
0x37: {  	[smem:$0x3FBA] =	sst s10  }
0x38: {  	s10 =	sld [smem:$0x3FBB]  }
0x39: {  	_ = 	snop;
	(pc) =	sbr.ind lr, $3  }
0x3a: {  	_ = 	snop  }
0x3b: {  	_ = 	snop  }
0x3c: {  	p2 =	seq.s32 s10, $0x1;
	s10 =	sld [smem:$0x3FBA]  }
0x3d: {  	_ =	shalt  }
0x3e: {  	_ =	shalt  }
0x3f: {  	_ =	shalt  }
0x40: {  	_ =	shalt  }
0x41: {  	_ =	shalt  }
0x42: {  	_ =	shalt  }
0x43: {  	_ =	shalt  }
0x44: {  	_ =	shalt  }
0x45: {  	_ =	shalt  }
0x46: {  	_ =	shalt  }
0x47: {  	_ =	shalt  }
0x48: {  	_ =	shalt  }
0x49: {  	_ =	shalt  }
0x4a: {  	_ =	shalt  }
0x4b: {  	_ =	shalt  }
0x4c: {  	_ =	shalt  }
0x4d: {  	_ =	shalt  }
0x4e: {  	_ =	shalt  }
0x4f: {  	_ =	shalt  }
0x50: {  	_ =	shalt  }
0x51: {  	_ =	shalt  }
0x52: {  	_ =	shalt  }
0x53: {  	_ =	shalt  }
0x54: {  	_ =	shalt  }
0x55: {  	_ =	shalt  }
0x56: {  	_ =	shalt  }
0x57: {  	_ =	shalt  }
0x58: {  	_ =	shalt  }
0x59: {  	_ =	shalt  }
0x5a: {  	_ =	shalt  }
0x5b: {  	_ =	shalt  }
0x5c: {  	_ =	shalt  }
0x5d: {  	_ =	shalt  }
0x5e: {  	_ =	shalt  }
0x5f: {  	_ =	shalt  }
0x60: {  	_ =	shalt  }
0x61: {  	_ =	shalt  }
0x62: {  	_ =	shalt  }
0x63: {  	_ =	shalt  }
0x64: {  	_ =	shalt  }
0x65: {  	_ =	shalt  }
0x66: {  	_ =	shalt  }
0x67: {  	_ =	shalt  }
0x68: {  	_ =	shalt  }
0x69: {  	_ =	shalt  }
0x6a: {  	_ =	shalt  }
0x6b: {  	_ =	shalt  }
0x6c: {  	_ =	shalt  }
0x6d: {  	_ =	shalt  }
0x6e: {  	_ =	shalt  }
0x6f: {  	_ =	shalt  }
0x70: {  	_ =	shalt  }
0x71: {  	_ =	shalt  }
0x72: {  	_ =	shalt  }
0x73: {  	_ =	shalt  }
0x74: {  	_ =	shalt  }
0x75: {  	_ =	shalt  }
0x76: {  	_ =	shalt  }
0x77: {  	_ =	shalt  }
0x78: {  	_ =	shalt  }
0x79: {  	_ =	shalt  }
0x7a: {  	_ =	shalt  }
0x7b: {  	_ =	shalt  }
0x7c: {  	_ =	shalt  }
0x7d: {  	_ =	shalt  }
0x7e: {  	_ =	shalt  }
0x7f: {  	_ =	shalt  }
0x80: {  	_ =	shalt  }
0x81: {  	_ =	shalt  }
0x82: {  	_ =	shalt  }
0x83: {  	_ =	shalt  }
0x84: {  	_ =	shalt  }
0x85: {  	_ =	shalt  }
0x86: {  	_ =	shalt  }
0x87: {  	_ =	shalt  }
.Lfunc_end0:
.L_simem_size_0:
called_computation_lowered:
.L_overlay_start_0:
0x88: {  	s2 =	sld [smem:$0x3FD9]  }
0x89: {  	s3 =	sld [smem:$0x3FFE];
	_ =	sdelay $0x1  }
0x8a: {  	s1 =	srdreg.scid  }
0x8b: {  	s0 =	sand.u32 $0x1, s1  }
0x8c: {  	s16 =	sshll.u32 s0, $0xA;
	s2 =	sadd.s32 s3, s2  }
0x8d: {  	s2 =	sadd.s32 s2, s16  }
0x8e: {  	[smem:$0x3FC6] =	sst s2  }
0x8f: {  	_ = 	snop  }
0x90: {  	(tm) =	ssettm $0x1  }
0x91: {  	s17 =	sld [smem:$0x3FFB];
	_ =	sdelay $0x3  }
0x92: {  	_ =	strace s17  }
0x93: {  	s2 =	sld [smem:$0x3FFC];
	_ =	sdelay $0x3  }
0x94: {  	_ =	strace s2  }
0x95: {  	s2 =	sld [smem:$0x3FFD];
	_ =	sdelay $0x3  }
0x96: {  	_ =	strace s2  }
0x97: {  	_ =	strace $0x8FFFFFFF  }
0x98: {  	s18 =	sld [smem:$0x3FDB];
	_ =	sdelay $0x1  }
0x99: {  	s19 =	simm.s32 $_scs_section_size  }
0x9a: {  	s4 =	simm.s32 $_size__tile_overlayer_lowered;
	s5 =	simm.s32 $_tile_overlayer_lowered  }
0x9b: {  	s22 =	simm.s32 $0x1BFF;
	s21 =	sshll.u32 s5, $0x1;
	s2 =	sadd.s32 s19, s18  }
0x9c: {  	s6 =	simm.s32 $0x0;
	s20 =	sshll.u32 s4, $0x1;
	s4 =	sadd.s32 s21, s2  }
0x9d: {  	[timem:s6], [sflag:s22] =	dma.local [hbm:s4], s20  }
0x9e: {  	_ =	swait.ge [sflag:s22], s20  }
0x9f: {  	s3 =	ssub.s32 $0x0, s20;
	[sflag:s22] =	ssyncset.done $0x0  }
0xa0: {  	[sflag:s22] =	ssyncadd.s32 s3;
	_ =	sdelay $0x1  }
0xa1: {  	s23 =	simm.s32 $0x1B8B  }
0xa2: {  	_ =	swait.ge [sflag:s23], $0x1  }
0xa3: {  	[sflag:s23] =	ssyncset.done $0x0  }
0xa4: {  	s25 =	simm.s32 $0x1B8E;
	s24 =	sld [smem:$0x3FFE];
	[sflag:s23] =	ssyncadd.s32 $0xFFFFFFFF  }
0xa5: {  	s26 =	simm.s32 $execute0_lowered;
	[smem:$0x3FD2] =	sst s25  }
0xa6: {  	s4 =	sshll.u32 s26, $0x1;
	_ =	strace $0x80000046;
	[dreg:$0x1] =	wrdreg $0xFFFFFFFF  }
0xa7: {  	s28 =	simm.s32 $_size_execute0_lowered;
	s2 =	sadd.s32 s2, s4;
	[dreg:$0x0] =	wrdreg $0x0  }
0xa8: {  	s4 =	sshll.u32 s28, $0x1;
	[dreg:$0x2] =	wrdreg s2  }
0xa9: {  	[dreg:$0x3] =	wrdreg s4  }
0xaa: {  	[dreg:$0x4] =	wrdreg $0xC0  }
0xab: {  	_ =	task [dreg:s6], $0x5FFFF  }
0xac: {  	[dreg:$0x1] =	wrdreg $0xFFFFFFFF  }
0xad: {  	[dreg:$0x0] =	wrdreg $0x60  }
0xae: {  	[dreg:$0x2] =	wrdreg s24  }
0xaf: {  	[dreg:$0x3] =	wrdreg $0x9  }
0xb0: {  	_ =	task.clear_ibuf [dreg:s6], $0x4FFFF;
	_ =	strace $0x90000046  }
0xb1: {  	s29 =	simm.s32 $0x9;
	_ =	strace $0x8000004F  }
0xb2: {  	_ =	swait.ge [sflag:s29], $0x1  }
0xb3: {  	[sflag:s29] =	ssyncadd.s32 $0xFFFFFFFF  }
0xb4: {  	_ =	strace $0x9000004F  }
0xb5: {  	_ =	sfence  }
0xb6: {  	s30 =	sld [smem:$0x0];
	_ =	sdelay $0x2  }
0xb7: {  	s31 =	sshll.u32 s1, $0xD;
	s1 =	sshrl.u32 s1, $0x2  }
0xb8: {  	s3 =	sand.u32 $0x4000, s31;
	s1 =	sadd.s32 s1, s30  }
0xb9: {  	s0 =	sor.u32 s3, s0;
	s1 =	sshll.u32 s1, $0x11  }
0xba: {  	s0 =	sor.u32 s1, s0  }
0xbb: {  	s0 =	sadd.s32 $0x8F2B, s0  }
0xbc: {  	[sflag:s0] =	ssyncadd.remote.s32 $0x1  }
0xbd: {  	_ =	sfence.sel $0xFFFF  }
0xbe: {  	[dreg:$0x0] =	wrdreg $0xFFFFFFFF;
	(pc) =	sbr.abs _section_cstart, $3  }
0xbf: {  	[dreg:$0x1] =	wrdreg $0xFFFFFFFF  }
0xc0: {  	_ =	task.clear_ibuf [dreg:s6], $0x2FFFF;
	_ =	strace $0x9FFFFFFF  }
0xc1: {  	(tm) =	ssettm $0x7FFFFFFF  }
tec
execute0_lowered:
.L_overlay_start_1:
0x0: {  	(tag) =	ssettag $0x1  }
0x1: {  	s0 =	srdreg.scid  }
0x2: {  	s5 =	rddreg [dreg:$0x0];
	s1 =	stileid.u32;
	s4 =	sand.u32 $0x1, s0  }
0x3: {  	s2 =	simm.s32 $0x0;
	s0 =	rddreg [dreg:$0x1];
	s3 =	sshll.u32 s4, $0x4  }
0x4: {  	s11 =	simm.s32 $0x0;
	[smem:$0x7FF] =	sst s2;
	s6 =	sor.u32 s1, s3  }
0x5: {  	s8 =	sshll.u32 s1, $0x8;
	_ =	strace $0x80000047;
	s7 =	smul.u32 $0x1900, s6  }
0x6: {  	s9 =	ssub.s32 $0x2, s4;
	s8 =	sand.u32 $0x300, s8;
	s4 =	sadd.s32 $0x200, s5  }
0x7: {  	s3 =	sadd.s32 $0x6600, s5;
	s10 =	sshrl.u32 s9, $0x1;
	s7 =	sand.u32 $0x3FC00, s7  }
0x8: {  	s5 =	sadd.s32 $0x18D000, s5;
	s31 =	ssub.s32 s9, s10;
	s7 =	sor.u32 s8, s7  }
0x9: {  	s6 =	smul.u32 $0x32, s6;
	s9 =	simm.s32 $0x80;
	s7 =	sshrl.u32 s7, $0x3  }
0xa: {  	s10 =	simm.s32 $0x5;
	s8 =	smax.u32 s31, $0x1;
	s7 =	sadd.s32 s4, s7  }
.LBB2_1:
0xb: {  	_ =	strace $0x80000048;
	s12 =	simm.s32 $0x32  }
0xc: {  	s14 =	simm.s32 $0x0;
	s13 =	simm.s32 $0x0;
	s15 =	simm.s32 $0x0  }
0xd: {  	[tilespmem:s2], [sflag:$0x1] =	stream.linear.gather [hbm4b:s7+s2], $0x80, $0x200038;
	[tilespmem:$0x4100] =	vst v63  }
0xe: {  	s16 =	simm.s32 $0x0;
	s17 =	simm.s32 $0x1;
	_ =	strace $0x90000048  }
.LBB2_2:
0xf: {  	s19 =	sadd.s32 s6, s14  }
0x10: {  	s20 =	sadd.s32 $0xFFFFFFFF, s14;
	p2 =	seq.s32 s14, $0x0;
	s14 =	sadd.s32 $0x1, s14  }
0x11: {  	p0 =	seq.s32 s14, $0x32  }
0x12: {  	s14 =	simm.s32 @p0 $0x0  }
0x13: {  	s18 =	sshra.s32 s19, $0x1F;
	s21 =	sadd.s32 s6, s14  }
0x14: {  	s18 =	sshrl.u32 s18, $0x1D;
	s22 =	sshra.s32 s21, $0x1F  }
0x15: {  	s18 =	sadd.s32 s18, s19;
	s22 =	sshrl.u32 s22, $0x1D  }
0x16: {  	s23 =	sshra.s32 s18, $0x3;
	s18 =	sand.u32 $0xFFFFFFF8, s18;
	s22 =	sadd.s32 s22, s21  }
0x17: {  	p5 =	slt.s32 s19, $0x1;
	p1 =	sne.s32 s19, s18;
	s26 =	sand.u32 $0xFFFFFFF8, s22  }
0x18: {  	p6 =	slt.s32 s21, $0x1;
	p0 =	por !p5, !p1;
	p3 =	sne.s32 s21, s26  }
0x19: {  	s18 =	simm.s32 $0x1;
	p0 =	por !p0, !p0;
	p1 =	por !p6, !p3  }
0x1a: {  	s24 =	simm.s32 $0x1;
	s18 =	simm.s32 @!p0 $0x0;
	p0 =	por !p1, !p1  }
0x1b: {  	s19 =	sand.u32 $0x7, s19;
	s22 =	sshra.s32 s22, $0x3;
	s24 =	simm.s32 @!p0 $0x0  }
0x1c: {  	s21 =	sand.u32 $0x7, s21;
	s18 =	ssub.s32 s23, s18;
	s22 =	ssub.s32 s22, s24  }
0x1d: {  	p5 =	sne.s32 s19, s21;
	p4 =	sne.s32 s18, s22  }
0x1e: {  	p6 =	sne.s32 s12, $0x1;
	p1 =	por p5, p4  }
0x1f: {  	p0 =	por !p6, !p1  }
0x20: {  	s20 =	simm.s32 @p2 $0x31;
	p0 =	por !p0, !p0  }
0x21: {  	s20 =	sadd.s32 s6, s20;
	s22 =	sshll.u32 @p0 s22, $0xA;
	s21 =	sshll.u32 @p0 s21, $0x7  }
0x22: {  	s28 =	sshra.s32 s20, $0x1F;
	_ =	strace @p0 $0x80000049;
	s21 =	sor.u32 @p0 s21, s22  }
0x23: {  	s24 =	simm.s32 @p0 $0x0;
	s22 =	sand.u32 @p0 $0x1, s17;
	s21 =	sshrl.u32 @p0 s21, $0x3  }
0x24: {  	s23 =	sshll.u32 @p0 s22, $0x7;
	s22 =	sadd.s32 @p0 $0x1, s22;
	s21 =	sadd.s32 @p0 s4, s21  }
0x25: {  	[tilespmem:s23], [sflag:s22] =	stream.linear.gather @p0 [hbm4b:s21+s24], $0x80, $0x200038;
	[tilespmem:$0x4100] =	vst v63  }
0x26: {  	s21 =	sshrl.u32 s28, $0x1D  }
0x27: {  	s21 =	sadd.s32 s21, s20  }
0x28: {  	s29 =	sand.u32 $0xFFFFFFF8, s21  }
0x29: {  	p3 =	slt.s32 s20, $0x1;
	p4 =	sne.s32 s20, s29  }
0x2a: {  	p2 =	por !p3, !p4  }
0x2b: {  	s22 =	simm.s32 $0x1;
	p2 =	por !p2, !p2  }
0x2c: {  	s21 =	sshra.s32 s21, $0x3;
	s22 =	simm.s32 @!p2 $0x0  }
0x2d: {  	s20 =	sand.u32 $0x7, s20;
	s21 =	ssub.s32 s21, s22  }
0x2e: {  	p6 =	sne.s32 s19, s20;
	p5 =	sne.s32 s18, s21  }
0x2f: {  	p4 =	seq.s32 s12, $0x32;
	p2 =	por p6, p5  }
0x30: {  	p3 =	por p4, p2  }
0x31: {  	_ =	strace @p0 $0x90000049;
	s20 =	sand.u32 @p3 $0x1, s16  }
0x32: {  	_ =	strace @p3 $0x8000004A;
	s20 =	sadd.s32 @p3 $0x1, s20  }
0x33: {  	s31 =	sshll.u32 s16, $0x7;
	_ =	swait.ge @p3 [sflag:s20], $0x80  }
0x34: {  	s22 =	sand.u32 $0x80, s31;
	p5 =	seq.s32 s12, $0x1;
	[sflag:s20] =	ssyncset.done @p3 $0x0  }
0x35: {  	p6 =	sne.s32 s12, $0x32;
	[sflag:s20] =	ssyncadd.s32 @p3 $0xFFFFFF80;
	s20 =	sand.u32 $0x1, s15  }
0x36: {  	p1 =	por p5, p1;
	_ =	strace @p3 $0x9000004A;
	s30 =	sshll.u32 s20, $0xD  }
0x37: {  	p2 =	por !p6, !p2;
	_ =	strace $0x8000004B;
	s21 =	sor.u32 $0x100, s30  }
0x38: {  	[tilespmem:s21], [sflag:$0x5] =	stream.indirect.gather [hbm4b:s3+s9], $0x40, s22, s9, $0x2000b8;
	[tilespmem:$0x4100] =	vst v63  }
0x39: {  	s18 =	sshll.u32 @p1 s18, $0x10;
	s19 =	sshll.u32 @p1 s19, $0xD;
	_ =	swait.ge [sflag:s10], $0x2000  }
0x3a: {  	s18 =	sor.u32 @p1 s19, s18;
	s19 =	simm.s32 $0x1;
	[sflag:s10] =	ssyncset.done $0x0  }
0x3b: {  	s18 =	sshrl.u32 @p1 s18, $0x3;
	s19 =	simm.s32 @!p0 $0x0;
	[sflag:s10] =	ssyncadd.s32 $0xFFFFE000  }
0x3c: {  	p0 =	por !p2, !p2;
	s18 =	sadd.s32 @p1 s5, s18;
	_ =	strace $0x9000004B  }
0x3d: {  	s20 =	sadd.s32 @p1 $0x3, s20;
	s22 =	simm.s32 @p1 $0x0;
	_ =	strace @p1 $0x8000004C  }
0x3e: {  	[hbm4b:s18+s22] =	stream.linear.scatter @p1 [tilespmem:s21], [sflag:s20], $0x2000, $0x200038;
	[tilespmem:$0x4100] =	vst v63  }
0x3f: {  	s12 =	sadd.s32 $0xFFFFFFFF, s12;
	s18 =	simm.s32 $0x1;
	s20 =	sand.u32 @p0 $0x1, s13  }
0x40: {  	_ =	strace @p1 $0x9000004C;
	s18 =	simm.s32 @!p1 $0x0;
	p1 =	sne.s32 s12, $0x0  }
.Ltmp0:
0x41: {  	s20 =	sadd.s32 @p0 $0x3, s20;
	_ =	strace @p0 $0x8000004D;
	(pc) =	sbr.rel @p1 .LBB2_2-.Ltmp0, $4  }
0x42: {  	s17 =	sadd.s32 s19, s17;
	s19 =	simm.s32 $0x1;
	_ =	swait.ge @p0 [sflag:s20], $0x2000  }
0x43: {  	s19 =	simm.s32 @!p0 $0x0;
	[sflag:s20] =	ssyncset.done @p0 $0x0  }
0x44: {  	s13 =	sadd.s32 s19, s13;
	[sflag:s20] =	ssyncadd.s32 @p0 $0xFFFFE000  }
0x45: {  	s15 =	sadd.s32 s18, s15;
	s16 =	sadd.s32 s18, s16;
	_ =	strace @p0 $0x9000004D  }
0x46: {  	s11 =	sadd.s32 $0x1, s11  }
0x47: {  	s12 =	sand.u32 $0x1, s13;
	p0 =	sne.s32 s11, s8  }
.Ltmp1:
0x48: {  	_ =	strace $0x8000004E;
	s12 =	sadd.s32 $0x3, s12;
	(pc) =	sbr.rel @p0 .LBB2_1-.Ltmp1, $4  }
0x49: {  	_ =	swait.ge [sflag:s12], $0x2000  }
0x4a: {  	[sflag:s12] =	ssyncset.done $0x0  }
0x4b: {  	[sflag:s12] =	ssyncadd.s32 $0xFFFFE000  }
0x4c: {  	_ =	strace $0x9000004E  }
0x4d: {  	_ =	sfence.sel $0x180000  }
0x4e: {  	[bflag:$0x0] =	sbarrier.arrive $0xFFFF  }
0x4f: {  	p0 =	sne.s32 s1, $0x0;
	_ =	strace $0x90000047  }
0x50: {  	s0 =	sadd.s32 @!p0 $0x100000, s0;
	[bflag:$0x2] =	sbarrier.arrive $0xFFFF  }
0x51: {  	[sflag:s0] =	ssyncadd.tile.s32 @!p0 $0x1;
	_ =	shalt  }
.Lfunc_end2:
_tile_overlayer_lowered:
.L_overlay_start_2:
0x52: {  	(tag) =	ssettag $0x2  }
0x53: {  	s0 =	rddreg [dreg:$0x0];
	s2 =	stileid.u32  }
0x54: {  	s1 =	rddreg [dreg:$0x1];
	p0 =	sne.s32 s2, $0x0  }
0x55: {  	s3 =	rddreg [dreg:$0x2];
	[bflag:$0x3] =	sbarrier.arrive $0xFFFF;
	s2 =	simm.s32 @!p0 $0x1C01  }
0x56: {  	[timem:s3], [sflag:s2] =	dma.local @!p0 [hbm:s0], s1  }
0x57: {  	s0 =	simm.s32 @!p0 $0x1  }
0x58: {  	_ =	swait.ge @!p0 [sflag:s0], s1  }
0x59: {  	s1 =	ssub.s32 @!p0 $0x0, s1;
	[sflag:s0] =	ssyncset.done @!p0 $0x0  }
0x5a: {  	[sflag:s0] =	ssyncadd.s32 @!p0 s1  }
0x5b: {  	[bflag:$0x3] =	sbarrier.arrive $0xFFFF  }
0x5c: {  	_ =	shalt  }

</sc_bundles>
